<compile_context>
chip_gen: v7x
topology: tpu7x:2x2x1
jax: 0.10.2.dev20260603
libtpu: 0.0.44.dev20260713+nightly
codegen_flags: <defaults>
</compile_context>

<pallas_src>
import functools

import jax
import jax.numpy as jnp
from jax import lax
from jax.experimental import pallas as pl
from jax.experimental.pallas import tpu as pltpu
from jax.experimental.pallas import tpu_sc as plsc

_NUM_CLASSES = 1000000
_HIDDEN = 64
_BATCH = 16384
_DEFAULT = -1

_NC, _NS, _L = 2, 16, 16
_NW = _NC * _NS
_BPW = _BATCH // _NW
_CHUNK = 128
_NCHUNK = _BPW // _CHUNK


def _make_kernel():
    mesh = plsc.VectorSubcoreMesh(core_axis_name="c", subcore_axis_name="s")

    @functools.partial(
        pl.kernel,
        mesh=mesh,
        compiler_params=pltpu.CompilerParams(use_tc_tiling_on_sc=False),
        out_type=jax.ShapeDtypeStruct((_BATCH, _HIDDEN), jnp.float32),
        scratch_types=[
            pltpu.VMEM((_BPW,), jnp.int32),
            pltpu.VMEM((_BPW, _HIDDEN), jnp.float32),
            pltpu.SemaphoreType.DMA,
        ],
    )
    def k(labels_hbm, table_hbm, out_hbm, idx_v, rows_v, sem):
        wid = lax.axis_index("s") * _NC + lax.axis_index("c")
        base = wid * _BPW
        pltpu.sync_copy(labels_hbm.at[pl.ds(base, _BPW)], idx_v)
        for i in range(_BPW // _L):
            v = idx_v[pl.ds(i * _L, _L)]
            idx_v[pl.ds(i * _L, _L)] = jnp.where(v == _DEFAULT, _NUM_CLASSES, v)
        copies = []
        for c in range(_NCHUNK):
            copies.append(
                pltpu.async_copy(
                    table_hbm.at[idx_v.at[pl.ds(c * _CHUNK, _CHUNK)]],
                    rows_v.at[pl.ds(c * _CHUNK, _CHUNK)],
                    sem,
                )
            )
        for cp in copies:
            cp.wait()
        pltpu.sync_copy(rows_v, out_hbm.at[pl.ds(base, _BPW)])

    return k


_gather = _make_kernel()


def kernel(labels, embedding_table):
    return _gather(labels.astype(jnp.int32), embedding_table)

# --- scband reference (transcript-rebuilt; emitter-appended) ---
"""Pipeline reference for scband-label-embedder-15212774162811 (READ-ONLY COPY).

The authoritative reference and input builder live on the scoring server;
editing this copy changes nothing except your own understanding.
"""

import jax, jax.numpy as jnp
import numpy as np

NUM_CLASSES = 1000000
HIDDEN_SIZE = 64
DEFAULT_VALUE = -1
BATCH = 16384


def setup_inputs(seed: int = 0) -> dict:
    key = jax.random.key(seed)
    k_labels, k_table = jax.random.split(key)
    labels = jax.random.randint(k_labels, (BATCH,), 0, NUM_CLASSES, dtype=jnp.int64 if jax.config.jax_enable_x64 else jnp.int32)
    # dropout_prob > 0 -> one extra null-class row (num_classes + 1 rows)
    embedding_table = jax.random.normal(k_table, (NUM_CLASSES + 1, HIDDEN_SIZE), dtype=jnp.float32)
    return {"labels": labels, "embedding_table": embedding_table}


def reference(labels, embedding_table):
    drop_ids = labels == DEFAULT_VALUE
    labels = jnp.where(drop_ids, NUM_CLASSES, labels)
    return jnp.take(embedding_table, labels, axis=0)

if __name__ == "__main__":
    import jax
    _d = setup_inputs()
    print(jax.jit(kernel)(*tuple(_d.values())))

</pallas_src>

<mosaic_0001>
#map = affine_map<(d0, d1) -> (0)>
#map1 = affine_map<(d0, d1) -> (0, 0)>
module attributes {stable_mosaic.version = 14 : i64} {
  func.func @k(%arg0: i32, %arg1: i32, %arg2: memref<16384xi32, #tpu.memory_space<hbm>>, %arg3: memref<1000001x64xf32, #tpu.memory_space<hbm>>, %arg4: memref<16384x64xf32, #tpu.memory_space<hbm>>, %arg5: memref<512xi32, #tpu.memory_space<vmem>>, %arg6: memref<512x64xf32, #tpu.memory_space<vmem>>, %arg7: memref<!tpu.dma_semaphore, #tpu.memory_space<semaphore_mem>>) attributes {dimension_semantics = [#tpu.dimension_semantics<core_parallel>, #tpu.dimension_semantics<subcore_parallel>], iteration_bounds = array<i64: 2, 16>, scalar_prefetch = 0 : i64, scratch_operands = 3 : i64, tpu.core_type = #tpu.core_type<sc_vector_subcore>, window_params = [{transform_indices = #map}, {transform_indices = #map1}, {transform_indices = #map1}]} {
    %mul3A = arith.constant 2 : i32
    %mul3A_0 = arith.muli %arg1, %mul3A : i32
    %add3A = arith.addi %mul3A_0, %arg0 : i32
    %mul3A_1 = arith.constant 512 : i32
    %mul3A_2 = arith.muli %add3A, %mul3A_1 : i32
    "tpu.region"() ({
      %run_scoped3A = tpu.sem_alloc : memref<!tpu.dma_semaphore, #tpu.memory_space<semaphore_mem>>
      %dma_start3A_475 = tpu.memref_slice %arg2[%mul3A_2] : memref<16384xi32, #tpu.memory_space<hbm>> -> memref<512xi32, #tpu.memory_space<hbm>>
      %dma_start3A_476 = tpu.memref_slice %arg2[%mul3A_2] : memref<16384xi32, #tpu.memory_space<hbm>> -> memref<512xi32, #tpu.memory_space<hbm>>
      tpu.enqueue_dma source(%dma_start3A_476 : memref<512xi32, #tpu.memory_space<hbm>>) target(%arg5 : memref<512xi32, #tpu.memory_space<vmem>>) target_semaphore(%run_scoped3A : memref<!tpu.dma_semaphore, #tpu.memory_space<semaphore_mem>>)
      %dma_wait3A_477 = tpu.memref_slice %arg2[%mul3A_2] : memref<16384xi32, #tpu.memory_space<hbm>> -> memref<512xi32, #tpu.memory_space<hbm>>
      %dma_wait3A_478 = tpu.memref_slice %arg2[%mul3A_2] : memref<16384xi32, #tpu.memory_space<hbm>> -> memref<512xi32, #tpu.memory_space<hbm>>
      tpu.wait_dma2 semaphore(%run_scoped3A : memref<!tpu.dma_semaphore, #tpu.memory_space<semaphore_mem>>) src(%dma_wait3A_478 : memref<512xi32, #tpu.memory_space<hbm>>) dst(%arg5 : memref<512xi32, #tpu.memory_space<vmem>>)
      tpu.yield
    }) : () -> ()
    %get3A = arith.constant 0 : index
    %get3A_3 = tpu.vector_load %arg5[%get3A] {strides = array<i32>} : memref<512xi32, #tpu.memory_space<vmem>>, vector<16xi32>,
    %get3A_4 = vector.shape_cast %get3A_3 : vector<16xi32> to vector<16xi32>
    %eq3A = arith.constant -1 : i32
    %eq3A_5 = vector.broadcast %eq3A : i32 to vector<16xi32>
    %eq3A_6 = arith.cmpi eq, %get3A_4, %eq3A_5 : vector<16xi32>
    %jit3A = arith.constant 1000000 : i32
    %broadcast_in_dim3A = vector.broadcast %jit3A : i32 to vector<16xi32>
    %select_n3A = arith.select %eq3A_6, %broadcast_in_dim3A, %get3A_4 : vector<16xi1>, vector<16xi32>
    %swap3A = arith.constant 0 : index
    %swap3A_7 = tpu.vector_load %arg5[%swap3A] {strides = array<i32>} : memref<512xi32, #tpu.memory_space<vmem>>, vector<16xi32>,
    %swap3A_8 = vector.shape_cast %swap3A_7 : vector<16xi32> to vector<16xi32>
    %swap3A_9 = vector.shape_cast %select_n3A : vector<16xi32> to vector<16xi32>
    tpu.vector_store %arg5[%swap3A], %swap3A_9 {strides = array<i32>} : memref<512xi32, #tpu.memory_space<vmem>>, vector<16xi32>,
    %get3A_10 = arith.constant 16 : index
    %get3A_11 = tpu.vector_load %arg5[%get3A_10] {strides = array<i32>} : memref<512xi32, #tpu.memory_space<vmem>>, vector<16xi32>,
    %get3A_12 = vector.shape_cast %get3A_11 : vector<16xi32> to vector<16xi32>
    %eq3A_13 = arith.constant -1 : i32
    %eq3A_14 = vector.broadcast %eq3A_13 : i32 to vector<16xi32>
    %eq3A_15 = arith.cmpi eq, %get3A_12, %eq3A_14 : vector<16xi32>
    %jit3A_16 = arith.constant 1000000 : i32
    %broadcast_in_dim3A_17 = vector.broadcast %jit3A_16 : i32 to vector<16xi32>
    %select_n3A_18 = arith.select %eq3A_15, %broadcast_in_dim3A_17, %get3A_12 : vector<16xi1>, vector<16xi32>
    %swap3A_19 = arith.constant 16 : index
    %swap3A_20 = tpu.vector_load %arg5[%swap3A_19] {strides = array<i32>} : memref<512xi32, #tpu.memory_space<vmem>>, vector<16xi32>,
    %swap3A_21 = vector.shape_cast %swap3A_20 : vector<16xi32> to vector<16xi32>
    %swap3A_22 = vector.shape_cast %select_n3A_18 : vector<16xi32> to vector<16xi32>
    tpu.vector_store %arg5[%swap3A_19], %swap3A_22 {strides = array<i32>} : memref<512xi32, #tpu.memory_space<vmem>>, vector<16xi32>,
    %get3A_23 = arith.constant 32 : index
    %get3A_24 = tpu.vector_load %arg5[%get3A_23] {strides = array<i32>} : memref<512xi32, #tpu.memory_space<vmem>>, vector<16xi32>,
    %get3A_25 = vector.shape_cast %get3A_24 : vector<16xi32> to vector<16xi32>
    %eq3A_26 = arith.constant -1 : i32
    %eq3A_27 = vector.broadcast %eq3A_26 : i32 to vector<16xi32>
    %eq3A_28 = arith.cmpi eq, %get3A_25, %eq3A_27 : vector<16xi32>
    %jit3A_29 = arith.constant 1000000 : i32
    %broadcast_in_dim3A_30 = vector.broadcast %jit3A_29 : i32 to vector<16xi32>
    %select_n3A_31 = arith.select %eq3A_28, %broadcast_in_dim3A_30, %get3A_25 : vector<16xi1>, vector<16xi32>
    %swap3A_32 = arith.constant 32 : index
    %swap3A_33 = tpu.vector_load %arg5[%swap3A_32] {strides = array<i32>} : memref<512xi32, #tpu.memory_space<vmem>>, vector<16xi32>,
    %swap3A_34 = vector.shape_cast %swap3A_33 : vector<16xi32> to vector<16xi32>
    %swap3A_35 = vector.shape_cast %select_n3A_31 : vector<16xi32> to vector<16xi32>
    tpu.vector_store %arg5[%swap3A_32], %swap3A_35 {strides = array<i32>} : memref<512xi32, #tpu.memory_space<vmem>>, vector<16xi32>,
    %get3A_36 = arith.constant 48 : index
    %get3A_37 = tpu.vector_load %arg5[%get3A_36] {strides = array<i32>} : memref<512xi32, #tpu.memory_space<vmem>>, vector<16xi32>,
    %get3A_38 = vector.shape_cast %get3A_37 : vector<16xi32> to vector<16xi32>
    %eq3A_39 = arith.constant -1 : i32
    %eq3A_40 = vector.broadcast %eq3A_39 : i32 to vector<16xi32>
    %eq3A_41 = arith.cmpi eq, %get3A_38, %eq3A_40 : vector<16xi32>
    %jit3A_42 = arith.constant 1000000 : i32
    %broadcast_in_dim3A_43 = vector.broadcast %jit3A_42 : i32 to vector<16xi32>
    %select_n3A_44 = arith.select %eq3A_41, %broadcast_in_dim3A_43, %get3A_38 : vector<16xi1>, vector<16xi32>
    %swap3A_45 = arith.constant 48 : index
    %swap3A_46 = tpu.vector_load %arg5[%swap3A_45] {strides = array<i32>} : memref<512xi32, #tpu.memory_space<vmem>>, vector<16xi32>,
    %swap3A_47 = vector.shape_cast %swap3A_46 : vector<16xi32> to vector<16xi32>
    %swap3A_48 = vector.shape_cast %select_n3A_44 : vector<16xi32> to vector<16xi32>
    tpu.vector_store %arg5[%swap3A_45], %swap3A_48 {strides = array<i32>} : memref<512xi32, #tpu.memory_space<vmem>>, vector<16xi32>,
    %get3A_49 = arith.constant 64 : index
    %get3A_50 = tpu.vector_load %arg5[%get3A_49] {strides = array<i32>} : memref<512xi32, #tpu.memory_space<vmem>>, vector<16xi32>,
    %get3A_51 = vector.shape_cast %get3A_50 : vector<16xi32> to vector<16xi32>
    %eq3A_52 = arith.constant -1 : i32
    %eq3A_53 = vector.broadcast %eq3A_52 : i32 to vector<16xi32>
    %eq3A_54 = arith.cmpi eq, %get3A_51, %eq3A_53 : vector<16xi32>
    %jit3A_55 = arith.constant 1000000 : i32
    %broadcast_in_dim3A_56 = vector.broadcast %jit3A_55 : i32 to vector<16xi32>
    %select_n3A_57 = arith.select %eq3A_54, %broadcast_in_dim3A_56, %get3A_51 : vector<16xi1>, vector<16xi32>
    %swap3A_58 = arith.constant 64 : index
    %swap3A_59 = tpu.vector_load %arg5[%swap3A_58] {strides = array<i32>} : memref<512xi32, #tpu.memory_space<vmem>>, vector<16xi32>,
    %swap3A_60 = vector.shape_cast %swap3A_59 : vector<16xi32> to vector<16xi32>
    %swap3A_61 = vector.shape_cast %select_n3A_57 : vector<16xi32> to vector<16xi32>
    tpu.vector_store %arg5[%swap3A_58], %swap3A_61 {strides = array<i32>} : memref<512xi32, #tpu.memory_space<vmem>>, vector<16xi32>,
    %get3A_62 = arith.constant 80 : index
    %get3A_63 = tpu.vector_load %arg5[%get3A_62] {strides = array<i32>} : memref<512xi32, #tpu.memory_space<vmem>>, vector<16xi32>,
    %get3A_64 = vector.shape_cast %get3A_63 : vector<16xi32> to vector<16xi32>
    %eq3A_65 = arith.constant -1 : i32
    %eq3A_66 = vector.broadcast %eq3A_65 : i32 to vector<16xi32>
    %eq3A_67 = arith.cmpi eq, %get3A_64, %eq3A_66 : vector<16xi32>
    %jit3A_68 = arith.constant 1000000 : i32
    %broadcast_in_dim3A_69 = vector.broadcast %jit3A_68 : i32 to vector<16xi32>
    %select_n3A_70 = arith.select %eq3A_67, %broadcast_in_dim3A_69, %get3A_64 : vector<16xi1>, vector<16xi32>
    %swap3A_71 = arith.constant 80 : index
    %swap3A_72 = tpu.vector_load %arg5[%swap3A_71] {strides = array<i32>} : memref<512xi32, #tpu.memory_space<vmem>>, vector<16xi32>,
    %swap3A_73 = vector.shape_cast %swap3A_72 : vector<16xi32> to vector<16xi32>
    %swap3A_74 = vector.shape_cast %select_n3A_70 : vector<16xi32> to vector<16xi32>
    tpu.vector_store %arg5[%swap3A_71], %swap3A_74 {strides = array<i32>} : memref<512xi32, #tpu.memory_space<vmem>>, vector<16xi32>,
    %get3A_75 = arith.constant 96 : index
    %get3A_76 = tpu.vector_load %arg5[%get3A_75] {strides = array<i32>} : memref<512xi32, #tpu.memory_space<vmem>>, vector<16xi32>,
    %get3A_77 = vector.shape_cast %get3A_76 : vector<16xi32> to vector<16xi32>
    %eq3A_78 = arith.constant -1 : i32
    %eq3A_79 = vector.broadcast %eq3A_78 : i32 to vector<16xi32>
    %eq3A_80 = arith.cmpi eq, %get3A_77, %eq3A_79 : vector<16xi32>
    %jit3A_81 = arith.constant 1000000 : i32
    %broadcast_in_dim3A_82 = vector.broadcast %jit3A_81 : i32 to vector<16xi32>
    %select_n3A_83 = arith.select %eq3A_80, %broadcast_in_dim3A_82, %get3A_77 : vector<16xi1>, vector<16xi32>
    %swap3A_84 = arith.constant 96 : index
    %swap3A_85 = tpu.vector_load %arg5[%swap3A_84] {strides = array<i32>} : memref<512xi32, #tpu.memory_space<vmem>>, vector<16xi32>,
    %swap3A_86 = vector.shape_cast %swap3A_85 : vector<16xi32> to vector<16xi32>
    %swap3A_87 = vector.shape_cast %select_n3A_83 : vector<16xi32> to vector<16xi32>
    tpu.vector_store %arg5[%swap3A_84], %swap3A_87 {strides = array<i32>} : memref<512xi32, #tpu.memory_space<vmem>>, vector<16xi32>,
    %get3A_88 = arith.constant 112 : index
    %get3A_89 = tpu.vector_load %arg5[%get3A_88] {strides = array<i32>} : memref<512xi32, #tpu.memory_space<vmem>>, vector<16xi32>,
    %get3A_90 = vector.shape_cast %get3A_89 : vector<16xi32> to vector<16xi32>
    %eq3A_91 = arith.constant -1 : i32
    %eq3A_92 = vector.broadcast %eq3A_91 : i32 to vector<16xi32>
    %eq3A_93 = arith.cmpi eq, %get3A_90, %eq3A_92 : vector<16xi32>
    %jit3A_94 = arith.constant 1000000 : i32
    %broadcast_in_dim3A_95 = vector.broadcast %jit3A_94 : i32 to vector<16xi32>
    %select_n3A_96 = arith.select %eq3A_93, %broadcast_in_dim3A_95, %get3A_90 : vector<16xi1>, vector<16xi32>
    %swap3A_97 = arith.constant 112 : index
    %swap3A_98 = tpu.vector_load %arg5[%swap3A_97] {strides = array<i32>} : memref<512xi32, #tpu.memory_space<vmem>>, vector<16xi32>,
    %swap3A_99 = vector.shape_cast %swap3A_98 : vector<16xi32> to vector<16xi32>
    %swap3A_100 = vector.shape_cast %select_n3A_96 : vector<16xi32> to vector<16xi32>
    tpu.vector_store %arg5[%swap3A_97], %swap3A_100 {strides = array<i32>} : memref<512xi32, #tpu.memory_space<vmem>>, vector<16xi32>,
    %get3A_101 = arith.constant 128 : index
    %get3A_102 = tpu.vector_load %arg5[%get3A_101] {strides = array<i32>} : memref<512xi32, #tpu.memory_space<vmem>>, vector<16xi32>,
    %get3A_103 = vector.shape_cast %get3A_102 : vector<16xi32> to vector<16xi32>
    %eq3A_104 = arith.constant -1 : i32
    %eq3A_105 = vector.broadcast %eq3A_104 : i32 to vector<16xi32>
    %eq3A_106 = arith.cmpi eq, %get3A_103, %eq3A_105 : vector<16xi32>
    %jit3A_107 = arith.constant 1000000 : i32
    %broadcast_in_dim3A_108 = vector.broadcast %jit3A_107 : i32 to vector<16xi32>
    %select_n3A_109 = arith.select %eq3A_106, %broadcast_in_dim3A_108, %get3A_103 : vector<16xi1>, vector<16xi32>
    %swap3A_110 = arith.constant 128 : index
    %swap3A_111 = tpu.vector_load %arg5[%swap3A_110] {strides = array<i32>} : memref<512xi32, #tpu.memory_space<vmem>>, vector<16xi32>,
    %swap3A_112 = vector.shape_cast %swap3A_111 : vector<16xi32> to vector<16xi32>
    %swap3A_113 = vector.shape_cast %select_n3A_109 : vector<16xi32> to vector<16xi32>
    tpu.vector_store %arg5[%swap3A_110], %swap3A_113 {strides = array<i32>} : memref<512xi32, #tpu.memory_space<vmem>>, vector<16xi32>,
    %get3A_114 = arith.constant 144 : index
    %get3A_115 = tpu.vector_load %arg5[%get3A_114] {strides = array<i32>} : memref<512xi32, #tpu.memory_space<vmem>>, vector<16xi32>,
    %get3A_116 = vector.shape_cast %get3A_115 : vector<16xi32> to vector<16xi32>
    %eq3A_117 = arith.constant -1 : i32
    %eq3A_118 = vector.broadcast %eq3A_117 : i32 to vector<16xi32>
    %eq3A_119 = arith.cmpi eq, %get3A_116, %eq3A_118 : vector<16xi32>
    %jit3A_120 = arith.constant 1000000 : i32
    %broadcast_in_dim3A_121 = vector.broadcast %jit3A_120 : i32 to vector<16xi32>
    %select_n3A_122 = arith.select %eq3A_119, %broadcast_in_dim3A_121, %get3A_116 : vector<16xi1>, vector<16xi32>
    %swap3A_123 = arith.constant 144 : index
    %swap3A_124 = tpu.vector_load %arg5[%swap3A_123] {strides = array<i32>} : memref<512xi32, #tpu.memory_space<vmem>>, vector<16xi32>,
    %swap3A_125 = vector.shape_cast %swap3A_124 : vector<16xi32> to vector<16xi32>
    %swap3A_126 = vector.shape_cast %select_n3A_122 : vector<16xi32> to vector<16xi32>
    tpu.vector_store %arg5[%swap3A_123], %swap3A_126 {strides = array<i32>} : memref<512xi32, #tpu.memory_space<vmem>>, vector<16xi32>,
    %get3A_127 = arith.constant 160 : index
    %get3A_128 = tpu.vector_load %arg5[%get3A_127] {strides = array<i32>} : memref<512xi32, #tpu.memory_space<vmem>>, vector<16xi32>,
    %get3A_129 = vector.shape_cast %get3A_128 : vector<16xi32> to vector<16xi32>
    %eq3A_130 = arith.constant -1 : i32
    %eq3A_131 = vector.broadcast %eq3A_130 : i32 to vector<16xi32>
    %eq3A_132 = arith.cmpi eq, %get3A_129, %eq3A_131 : vector<16xi32>
    %jit3A_133 = arith.constant 1000000 : i32
    %broadcast_in_dim3A_134 = vector.broadcast %jit3A_133 : i32 to vector<16xi32>
    %select_n3A_135 = arith.select %eq3A_132, %broadcast_in_dim3A_134, %get3A_129 : vector<16xi1>, vector<16xi32>
    %swap3A_136 = arith.constant 160 : index
    %swap3A_137 = tpu.vector_load %arg5[%swap3A_136] {strides = array<i32>} : memref<512xi32, #tpu.memory_space<vmem>>, vector<16xi32>,
    %swap3A_138 = vector.shape_cast %swap3A_137 : vector<16xi32> to vector<16xi32>
    %swap3A_139 = vector.shape_cast %select_n3A_135 : vector<16xi32> to vector<16xi32>
    tpu.vector_store %arg5[%swap3A_136], %swap3A_139 {strides = array<i32>} : memref<512xi32, #tpu.memory_space<vmem>>, vector<16xi32>,
    %get3A_140 = arith.constant 176 : index
    %get3A_141 = tpu.vector_load %arg5[%get3A_140] {strides = array<i32>} : memref<512xi32, #tpu.memory_space<vmem>>, vector<16xi32>,
    %get3A_142 = vector.shape_cast %get3A_141 : vector<16xi32> to vector<16xi32>
    %eq3A_143 = arith.constant -1 : i32
    %eq3A_144 = vector.broadcast %eq3A_143 : i32 to vector<16xi32>
    %eq3A_145 = arith.cmpi eq, %get3A_142, %eq3A_144 : vector<16xi32>
    %jit3A_146 = arith.constant 1000000 : i32
    %broadcast_in_dim3A_147 = vector.broadcast %jit3A_146 : i32 to vector<16xi32>
    %select_n3A_148 = arith.select %eq3A_145, %broadcast_in_dim3A_147, %get3A_142 : vector<16xi1>, vector<16xi32>
    %swap3A_149 = arith.constant 176 : index
    %swap3A_150 = tpu.vector_load %arg5[%swap3A_149] {strides = array<i32>} : memref<512xi32, #tpu.memory_space<vmem>>, vector<16xi32>,
    %swap3A_151 = vector.shape_cast %swap3A_150 : vector<16xi32> to vector<16xi32>
    %swap3A_152 = vector.shape_cast %select_n3A_148 : vector<16xi32> to vector<16xi32>
    tpu.vector_store %arg5[%swap3A_149], %swap3A_152 {strides = array<i32>} : memref<512xi32, #tpu.memory_space<vmem>>, vector<16xi32>,
    %get3A_153 = arith.constant 192 : index
    %get3A_154 = tpu.vector_load %arg5[%get3A_153] {strides = array<i32>} : memref<512xi32, #tpu.memory_space<vmem>>, vector<16xi32>,
    %get3A_155 = vector.shape_cast %get3A_154 : vector<16xi32> to vector<16xi32>
    %eq3A_156 = arith.constant -1 : i32
    %eq3A_157 = vector.broadcast %eq3A_156 : i32 to vector<16xi32>
    %eq3A_158 = arith.cmpi eq, %get3A_155, %eq3A_157 : vector<16xi32>
    %jit3A_159 = arith.constant 1000000 : i32
    %broadcast_in_dim3A_160 = vector.broadcast %jit3A_159 : i32 to vector<16xi32>
    %select_n3A_161 = arith.select %eq3A_158, %broadcast_in_dim3A_160, %get3A_155 : vector<16xi1>, vector<16xi32>
    %swap3A_162 = arith.constant 192 : index
    %swap3A_163 = tpu.vector_load %arg5[%swap3A_162] {strides = array<i32>} : memref<512xi32, #tpu.memory_space<vmem>>, vector<16xi32>,
    %swap3A_164 = vector.shape_cast %swap3A_163 : vector<16xi32> to vector<16xi32>
    %swap3A_165 = vector.shape_cast %select_n3A_161 : vector<16xi32> to vector<16xi32>
    tpu.vector_store %arg5[%swap3A_162], %swap3A_165 {strides = array<i32>} : memref<512xi32, #tpu.memory_space<vmem>>, vector<16xi32>,
    %get3A_166 = arith.constant 208 : index
    %get3A_167 = tpu.vector_load %arg5[%get3A_166] {strides = array<i32>} : memref<512xi32, #tpu.memory_space<vmem>>, vector<16xi32>,
    %get3A_168 = vector.shape_cast %get3A_167 : vector<16xi32> to vector<16xi32>
    %eq3A_169 = arith.constant -1 : i32
    %eq3A_170 = vector.broadcast %eq3A_169 : i32 to vector<16xi32>
    %eq3A_171 = arith.cmpi eq, %get3A_168, %eq3A_170 : vector<16xi32>
    %jit3A_172 = arith.constant 1000000 : i32
    %broadcast_in_dim3A_173 = vector.broadcast %jit3A_172 : i32 to vector<16xi32>
    %select_n3A_174 = arith.select %eq3A_171, %broadcast_in_dim3A_173, %get3A_168 : vector<16xi1>, vector<16xi32>
    %swap3A_175 = arith.constant 208 : index
    %swap3A_176 = tpu.vector_load %arg5[%swap3A_175] {strides = array<i32>} : memref<512xi32, #tpu.memory_space<vmem>>, vector<16xi32>,
    %swap3A_177 = vector.shape_cast %swap3A_176 : vector<16xi32> to vector<16xi32>
    %swap3A_178 = vector.shape_cast %select_n3A_174 : vector<16xi32> to vector<16xi32>
    tpu.vector_store %arg5[%swap3A_175], %swap3A_178 {strides = array<i32>} : memref<512xi32, #tpu.memory_space<vmem>>, vector<16xi32>,
    %get3A_179 = arith.constant 224 : index
    %get3A_180 = tpu.vector_load %arg5[%get3A_179] {strides = array<i32>} : memref<512xi32, #tpu.memory_space<vmem>>, vector<16xi32>,
    %get3A_181 = vector.shape_cast %get3A_180 : vector<16xi32> to vector<16xi32>
    %eq3A_182 = arith.constant -1 : i32
    %eq3A_183 = vector.broadcast %eq3A_182 : i32 to vector<16xi32>
    %eq3A_184 = arith.cmpi eq, %get3A_181, %eq3A_183 : vector<16xi32>
    %jit3A_185 = arith.constant 1000000 : i32
    %broadcast_in_dim3A_186 = vector.broadcast %jit3A_185 : i32 to vector<16xi32>
    %select_n3A_187 = arith.select %eq3A_184, %broadcast_in_dim3A_186, %get3A_181 : vector<16xi1>, vector<16xi32>
    %swap3A_188 = arith.constant 224 : index
    %swap3A_189 = tpu.vector_load %arg5[%swap3A_188] {strides = array<i32>} : memref<512xi32, #tpu.memory_space<vmem>>, vector<16xi32>,
    %swap3A_190 = vector.shape_cast %swap3A_189 : vector<16xi32> to vector<16xi32>
    %swap3A_191 = vector.shape_cast %select_n3A_187 : vector<16xi32> to vector<16xi32>
    tpu.vector_store %arg5[%swap3A_188], %swap3A_191 {strides = array<i32>} : memref<512xi32, #tpu.memory_space<vmem>>, vector<16xi32>,
    %get3A_192 = arith.constant 240 : index
    %get3A_193 = tpu.vector_load %arg5[%get3A_192] {strides = array<i32>} : memref<512xi32, #tpu.memory_space<vmem>>, vector<16xi32>,
    %get3A_194 = vector.shape_cast %get3A_193 : vector<16xi32> to vector<16xi32>
    %eq3A_195 = arith.constant -1 : i32
    %eq3A_196 = vector.broadcast %eq3A_195 : i32 to vector<16xi32>
    %eq3A_197 = arith.cmpi eq, %get3A_194, %eq3A_196 : vector<16xi32>
    %jit3A_198 = arith.constant 1000000 : i32
    %broadcast_in_dim3A_199 = vector.broadcast %jit3A_198 : i32 to vector<16xi32>
    %select_n3A_200 = arith.select %eq3A_197, %broadcast_in_dim3A_199, %get3A_194 : vector<16xi1>, vector<16xi32>
    %swap3A_201 = arith.constant 240 : index
    %swap3A_202 = tpu.vector_load %arg5[%swap3A_201] {strides = array<i32>} : memref<512xi32, #tpu.memory_space<vmem>>, vector<16xi32>,
    %swap3A_203 = vector.shape_cast %swap3A_202 : vector<16xi32> to vector<16xi32>
    %swap3A_204 = vector.shape_cast %select_n3A_200 : vector<16xi32> to vector<16xi32>
    tpu.vector_store %arg5[%swap3A_201], %swap3A_204 {strides = array<i32>} : memref<512xi32, #tpu.memory_space<vmem>>, vector<16xi32>,
    %get3A_205 = arith.constant 256 : index
    %get3A_206 = tpu.vector_load %arg5[%get3A_205] {strides = array<i32>} : memref<512xi32, #tpu.memory_space<vmem>>, vector<16xi32>,
    %get3A_207 = vector.shape_cast %get3A_206 : vector<16xi32> to vector<16xi32>
    %eq3A_208 = arith.constant -1 : i32
    %eq3A_209 = vector.broadcast %eq3A_208 : i32 to vector<16xi32>
    %eq3A_210 = arith.cmpi eq, %get3A_207, %eq3A_209 : vector<16xi32>
    %jit3A_211 = arith.constant 1000000 : i32
    %broadcast_in_dim3A_212 = vector.broadcast %jit3A_211 : i32 to vector<16xi32>
    %select_n3A_213 = arith.select %eq3A_210, %broadcast_in_dim3A_212, %get3A_207 : vector<16xi1>, vector<16xi32>
    %swap3A_214 = arith.constant 256 : index
    %swap3A_215 = tpu.vector_load %arg5[%swap3A_214] {strides = array<i32>} : memref<512xi32, #tpu.memory_space<vmem>>, vector<16xi32>,
    %swap3A_216 = vector.shape_cast %swap3A_215 : vector<16xi32> to vector<16xi32>
    %swap3A_217 = vector.shape_cast %select_n3A_213 : vector<16xi32> to vector<16xi32>
    tpu.vector_store %arg5[%swap3A_214], %swap3A_217 {strides = array<i32>} : memref<512xi32, #tpu.memory_space<vmem>>, vector<16xi32>,
    %get3A_218 = arith.constant 272 : index
    %get3A_219 = tpu.vector_load %arg5[%get3A_218] {strides = array<i32>} : memref<512xi32, #tpu.memory_space<vmem>>, vector<16xi32>,
    %get3A_220 = vector.shape_cast %get3A_219 : vector<16xi32> to vector<16xi32>
    %eq3A_221 = arith.constant -1 : i32
    %eq3A_222 = vector.broadcast %eq3A_221 : i32 to vector<16xi32>
    %eq3A_223 = arith.cmpi eq, %get3A_220, %eq3A_222 : vector<16xi32>
    %jit3A_224 = arith.constant 1000000 : i32
    %broadcast_in_dim3A_225 = vector.broadcast %jit3A_224 : i32 to vector<16xi32>
    %select_n3A_226 = arith.select %eq3A_223, %broadcast_in_dim3A_225, %get3A_220 : vector<16xi1>, vector<16xi32>
    %swap3A_227 = arith.constant 272 : index
    %swap3A_228 = tpu.vector_load %arg5[%swap3A_227] {strides = array<i32>} : memref<512xi32, #tpu.memory_space<vmem>>, vector<16xi32>,
    %swap3A_229 = vector.shape_cast %swap3A_228 : vector<16xi32> to vector<16xi32>
    %swap3A_230 = vector.shape_cast %select_n3A_226 : vector<16xi32> to vector<16xi32>
    tpu.vector_store %arg5[%swap3A_227], %swap3A_230 {strides = array<i32>} : memref<512xi32, #tpu.memory_space<vmem>>, vector<16xi32>,
    %get3A_231 = arith.constant 288 : index
    %get3A_232 = tpu.vector_load %arg5[%get3A_231] {strides = array<i32>} : memref<512xi32, #tpu.memory_space<vmem>>, vector<16xi32>,
    %get3A_233 = vector.shape_cast %get3A_232 : vector<16xi32> to vector<16xi32>
    %eq3A_234 = arith.constant -1 : i32
    %eq3A_235 = vector.broadcast %eq3A_234 : i32 to vector<16xi32>
    %eq3A_236 = arith.cmpi eq, %get3A_233, %eq3A_235 : vector<16xi32>
    %jit3A_237 = arith.constant 1000000 : i32
    %broadcast_in_dim3A_238 = vector.broadcast %jit3A_237 : i32 to vector<16xi32>
    %select_n3A_239 = arith.select %eq3A_236, %broadcast_in_dim3A_238, %get3A_233 : vector<16xi1>, vector<16xi32>
    %swap3A_240 = arith.constant 288 : index
    %swap3A_241 = tpu.vector_load %arg5[%swap3A_240] {strides = array<i32>} : memref<512xi32, #tpu.memory_space<vmem>>, vector<16xi32>,
    %swap3A_242 = vector.shape_cast %swap3A_241 : vector<16xi32> to vector<16xi32>
    %swap3A_243 = vector.shape_cast %select_n3A_239 : vector<16xi32> to vector<16xi32>
    tpu.vector_store %arg5[%swap3A_240], %swap3A_243 {strides = array<i32>} : memref<512xi32, #tpu.memory_space<vmem>>, vector<16xi32>,
    %get3A_244 = arith.constant 304 : index
    %get3A_245 = tpu.vector_load %arg5[%get3A_244] {strides = array<i32>} : memref<512xi32, #tpu.memory_space<vmem>>, vector<16xi32>,
    %get3A_246 = vector.shape_cast %get3A_245 : vector<16xi32> to vector<16xi32>
    %eq3A_247 = arith.constant -1 : i32
    %eq3A_248 = vector.broadcast %eq3A_247 : i32 to vector<16xi32>
    %eq3A_249 = arith.cmpi eq, %get3A_246, %eq3A_248 : vector<16xi32>
    %jit3A_250 = arith.constant 1000000 : i32
    %broadcast_in_dim3A_251 = vector.broadcast %jit3A_250 : i32 to vector<16xi32>
    %select_n3A_252 = arith.select %eq3A_249, %broadcast_in_dim3A_251, %get3A_246 : vector<16xi1>, vector<16xi32>
    %swap3A_253 = arith.constant 304 : index
    %swap3A_254 = tpu.vector_load %arg5[%swap3A_253] {strides = array<i32>} : memref<512xi32, #tpu.memory_space<vmem>>, vector<16xi32>,
    %swap3A_255 = vector.shape_cast %swap3A_254 : vector<16xi32> to vector<16xi32>
    %swap3A_256 = vector.shape_cast %select_n3A_252 : vector<16xi32> to vector<16xi32>
    tpu.vector_store %arg5[%swap3A_253], %swap3A_256 {strides = array<i32>} : memref<512xi32, #tpu.memory_space<vmem>>, vector<16xi32>,
    %get3A_257 = arith.constant 320 : index
    %get3A_258 = tpu.vector_load %arg5[%get3A_257] {strides = array<i32>} : memref<512xi32, #tpu.memory_space<vmem>>, vector<16xi32>,
    %get3A_259 = vector.shape_cast %get3A_258 : vector<16xi32> to vector<16xi32>
    %eq3A_260 = arith.constant -1 : i32
    %eq3A_261 = vector.broadcast %eq3A_260 : i32 to vector<16xi32>
    %eq3A_262 = arith.cmpi eq, %get3A_259, %eq3A_261 : vector<16xi32>
    %jit3A_263 = arith.constant 1000000 : i32
    %broadcast_in_dim3A_264 = vector.broadcast %jit3A_263 : i32 to vector<16xi32>
    %select_n3A_265 = arith.select %eq3A_262, %broadcast_in_dim3A_264, %get3A_259 : vector<16xi1>, vector<16xi32>
    %swap3A_266 = arith.constant 320 : index
    %swap3A_267 = tpu.vector_load %arg5[%swap3A_266] {strides = array<i32>} : memref<512xi32, #tpu.memory_space<vmem>>, vector<16xi32>,
    %swap3A_268 = vector.shape_cast %swap3A_267 : vector<16xi32> to vector<16xi32>
    %swap3A_269 = vector.shape_cast %select_n3A_265 : vector<16xi32> to vector<16xi32>
    tpu.vector_store %arg5[%swap3A_266], %swap3A_269 {strides = array<i32>} : memref<512xi32, #tpu.memory_space<vmem>>, vector<16xi32>,
    %get3A_270 = arith.constant 336 : index
    %get3A_271 = tpu.vector_load %arg5[%get3A_270] {strides = array<i32>} : memref<512xi32, #tpu.memory_space<vmem>>, vector<16xi32>,
    %get3A_272 = vector.shape_cast %get3A_271 : vector<16xi32> to vector<16xi32>
    %eq3A_273 = arith.constant -1 : i32
    %eq3A_274 = vector.broadcast %eq3A_273 : i32 to vector<16xi32>
    %eq3A_275 = arith.cmpi eq, %get3A_272, %eq3A_274 : vector<16xi32>
    %jit3A_276 = arith.constant 1000000 : i32
    %broadcast_in_dim3A_277 = vector.broadcast %jit3A_276 : i32 to vector<16xi32>
    %select_n3A_278 = arith.select %eq3A_275, %broadcast_in_dim3A_277, %get3A_272 : vector<16xi1>, vector<16xi32>
    %swap3A_279 = arith.constant 336 : index
    %swap3A_280 = tpu.vector_load %arg5[%swap3A_279] {strides = array<i32>} : memref<512xi32, #tpu.memory_space<vmem>>, vector<16xi32>,
    %swap3A_281 = vector.shape_cast %swap3A_280 : vector<16xi32> to vector<16xi32>
    %swap3A_282 = vector.shape_cast %select_n3A_278 : vector<16xi32> to vector<16xi32>
    tpu.vector_store %arg5[%swap3A_279], %swap3A_282 {strides = array<i32>} : memref<512xi32, #tpu.memory_space<vmem>>, vector<16xi32>,
    %get3A_283 = arith.constant 352 : index
    %get3A_284 = tpu.vector_load %arg5[%get3A_283] {strides = array<i32>} : memref<512xi32, #tpu.memory_space<vmem>>, vector<16xi32>,
    %get3A_285 = vector.shape_cast %get3A_284 : vector<16xi32> to vector<16xi32>
    %eq3A_286 = arith.constant -1 : i32
    %eq3A_287 = vector.broadcast %eq3A_286 : i32 to vector<16xi32>
    %eq3A_288 = arith.cmpi eq, %get3A_285, %eq3A_287 : vector<16xi32>
    %jit3A_289 = arith.constant 1000000 : i32
    %broadcast_in_dim3A_290 = vector.broadcast %jit3A_289 : i32 to vector<16xi32>
    %select_n3A_291 = arith.select %eq3A_288, %broadcast_in_dim3A_290, %get3A_285 : vector<16xi1>, vector<16xi32>
    %swap3A_292 = arith.constant 352 : index
    %swap3A_293 = tpu.vector_load %arg5[%swap3A_292] {strides = array<i32>} : memref<512xi32, #tpu.memory_space<vmem>>, vector<16xi32>,
    %swap3A_294 = vector.shape_cast %swap3A_293 : vector<16xi32> to vector<16xi32>
    %swap3A_295 = vector.shape_cast %select_n3A_291 : vector<16xi32> to vector<16xi32>
    tpu.vector_store %arg5[%swap3A_292], %swap3A_295 {strides = array<i32>} : memref<512xi32, #tpu.memory_space<vmem>>, vector<16xi32>,
    %get3A_296 = arith.constant 368 : index
    %get3A_297 = tpu.vector_load %arg5[%get3A_296] {strides = array<i32>} : memref<512xi32, #tpu.memory_space<vmem>>, vector<16xi32>,
    %get3A_298 = vector.shape_cast %get3A_297 : vector<16xi32> to vector<16xi32>
    %eq3A_299 = arith.constant -1 : i32
    %eq3A_300 = vector.broadcast %eq3A_299 : i32 to vector<16xi32>
    %eq3A_301 = arith.cmpi eq, %get3A_298, %eq3A_300 : vector<16xi32>
    %jit3A_302 = arith.constant 1000000 : i32
    %broadcast_in_dim3A_303 = vector.broadcast %jit3A_302 : i32 to vector<16xi32>
    %select_n3A_304 = arith.select %eq3A_301, %broadcast_in_dim3A_303, %get3A_298 : vector<16xi1>, vector<16xi32>
    %swap3A_305 = arith.constant 368 : index
    %swap3A_306 = tpu.vector_load %arg5[%swap3A_305] {strides = array<i32>} : memref<512xi32, #tpu.memory_space<vmem>>, vector<16xi32>,
    %swap3A_307 = vector.shape_cast %swap3A_306 : vector<16xi32> to vector<16xi32>
    %swap3A_308 = vector.shape_cast %select_n3A_304 : vector<16xi32> to vector<16xi32>
    tpu.vector_store %arg5[%swap3A_305], %swap3A_308 {strides = array<i32>} : memref<512xi32, #tpu.memory_space<vmem>>, vector<16xi32>,
    %get3A_309 = arith.constant 384 : index
    %get3A_310 = tpu.vector_load %arg5[%get3A_309] {strides = array<i32>} : memref<512xi32, #tpu.memory_space<vmem>>, vector<16xi32>,
    %get3A_311 = vector.shape_cast %get3A_310 : vector<16xi32> to vector<16xi32>
    %eq3A_312 = arith.constant -1 : i32
    %eq3A_313 = vector.broadcast %eq3A_312 : i32 to vector<16xi32>
    %eq3A_314 = arith.cmpi eq, %get3A_311, %eq3A_313 : vector<16xi32>
    %jit3A_315 = arith.constant 1000000 : i32
    %broadcast_in_dim3A_316 = vector.broadcast %jit3A_315 : i32 to vector<16xi32>
    %select_n3A_317 = arith.select %eq3A_314, %broadcast_in_dim3A_316, %get3A_311 : vector<16xi1>, vector<16xi32>
    %swap3A_318 = arith.constant 384 : index
    %swap3A_319 = tpu.vector_load %arg5[%swap3A_318] {strides = array<i32>} : memref<512xi32, #tpu.memory_space<vmem>>, vector<16xi32>,
    %swap3A_320 = vector.shape_cast %swap3A_319 : vector<16xi32> to vector<16xi32>
    %swap3A_321 = vector.shape_cast %select_n3A_317 : vector<16xi32> to vector<16xi32>
    tpu.vector_store %arg5[%swap3A_318], %swap3A_321 {strides = array<i32>} : memref<512xi32, #tpu.memory_space<vmem>>, vector<16xi32>,
    %get3A_322 = arith.constant 400 : index
    %get3A_323 = tpu.vector_load %arg5[%get3A_322] {strides = array<i32>} : memref<512xi32, #tpu.memory_space<vmem>>, vector<16xi32>,
    %get3A_324 = vector.shape_cast %get3A_323 : vector<16xi32> to vector<16xi32>
    %eq3A_325 = arith.constant -1 : i32
    %eq3A_326 = vector.broadcast %eq3A_325 : i32 to vector<16xi32>
    %eq3A_327 = arith.cmpi eq, %get3A_324, %eq3A_326 : vector<16xi32>
    %jit3A_328 = arith.constant 1000000 : i32
    %broadcast_in_dim3A_329 = vector.broadcast %jit3A_328 : i32 to vector<16xi32>
    %select_n3A_330 = arith.select %eq3A_327, %broadcast_in_dim3A_329, %get3A_324 : vector<16xi1>, vector<16xi32>
    %swap3A_331 = arith.constant 400 : index
    %swap3A_332 = tpu.vector_load %arg5[%swap3A_331] {strides = array<i32>} : memref<512xi32, #tpu.memory_space<vmem>>, vector<16xi32>,
    %swap3A_333 = vector.shape_cast %swap3A_332 : vector<16xi32> to vector<16xi32>
    %swap3A_334 = vector.shape_cast %select_n3A_330 : vector<16xi32> to vector<16xi32>
    tpu.vector_store %arg5[%swap3A_331], %swap3A_334 {strides = array<i32>} : memref<512xi32, #tpu.memory_space<vmem>>, vector<16xi32>,
    %get3A_335 = arith.constant 416 : index
    %get3A_336 = tpu.vector_load %arg5[%get3A_335] {strides = array<i32>} : memref<512xi32, #tpu.memory_space<vmem>>, vector<16xi32>,
    %get3A_337 = vector.shape_cast %get3A_336 : vector<16xi32> to vector<16xi32>
    %eq3A_338 = arith.constant -1 : i32
    %eq3A_339 = vector.broadcast %eq3A_338 : i32 to vector<16xi32>
    %eq3A_340 = arith.cmpi eq, %get3A_337, %eq3A_339 : vector<16xi32>
    %jit3A_341 = arith.constant 1000000 : i32
    %broadcast_in_dim3A_342 = vector.broadcast %jit3A_341 : i32 to vector<16xi32>
    %select_n3A_343 = arith.select %eq3A_340, %broadcast_in_dim3A_342, %get3A_337 : vector<16xi1>, vector<16xi32>
    %swap3A_344 = arith.constant 416 : index
    %swap3A_345 = tpu.vector_load %arg5[%swap3A_344] {strides = array<i32>} : memref<512xi32, #tpu.memory_space<vmem>>, vector<16xi32>,
    %swap3A_346 = vector.shape_cast %swap3A_345 : vector<16xi32> to vector<16xi32>
    %swap3A_347 = vector.shape_cast %select_n3A_343 : vector<16xi32> to vector<16xi32>
    tpu.vector_store %arg5[%swap3A_344], %swap3A_347 {strides = array<i32>} : memref<512xi32, #tpu.memory_space<vmem>>, vector<16xi32>,
    %get3A_348 = arith.constant 432 : index
    %get3A_349 = tpu.vector_load %arg5[%get3A_348] {strides = array<i32>} : memref<512xi32, #tpu.memory_space<vmem>>, vector<16xi32>,
    %get3A_350 = vector.shape_cast %get3A_349 : vector<16xi32> to vector<16xi32>
    %eq3A_351 = arith.constant -1 : i32
    %eq3A_352 = vector.broadcast %eq3A_351 : i32 to vector<16xi32>
    %eq3A_353 = arith.cmpi eq, %get3A_350, %eq3A_352 : vector<16xi32>
    %jit3A_354 = arith.constant 1000000 : i32
    %broadcast_in_dim3A_355 = vector.broadcast %jit3A_354 : i32 to vector<16xi32>
    %select_n3A_356 = arith.select %eq3A_353, %broadcast_in_dim3A_355, %get3A_350 : vector<16xi1>, vector<16xi32>
    %swap3A_357 = arith.constant 432 : index
    %swap3A_358 = tpu.vector_load %arg5[%swap3A_357] {strides = array<i32>} : memref<512xi32, #tpu.memory_space<vmem>>, vector<16xi32>,
    %swap3A_359 = vector.shape_cast %swap3A_358 : vector<16xi32> to vector<16xi32>
    %swap3A_360 = vector.shape_cast %select_n3A_356 : vector<16xi32> to vector<16xi32>
    tpu.vector_store %arg5[%swap3A_357], %swap3A_360 {strides = array<i32>} : memref<512xi32, #tpu.memory_space<vmem>>, vector<16xi32>,
    %get3A_361 = arith.constant 448 : index
    %get3A_362 = tpu.vector_load %arg5[%get3A_361] {strides = array<i32>} : memref<512xi32, #tpu.memory_space<vmem>>, vector<16xi32>,
    %get3A_363 = vector.shape_cast %get3A_362 : vector<16xi32> to vector<16xi32>
    %eq3A_364 = arith.constant -1 : i32
    %eq3A_365 = vector.broadcast %eq3A_364 : i32 to vector<16xi32>
    %eq3A_366 = arith.cmpi eq, %get3A_363, %eq3A_365 : vector<16xi32>
    %jit3A_367 = arith.constant 1000000 : i32
    %broadcast_in_dim3A_368 = vector.broadcast %jit3A_367 : i32 to vector<16xi32>
    %select_n3A_369 = arith.select %eq3A_366, %broadcast_in_dim3A_368, %get3A_363 : vector<16xi1>, vector<16xi32>
    %swap3A_370 = arith.constant 448 : index
    %swap3A_371 = tpu.vector_load %arg5[%swap3A_370] {strides = array<i32>} : memref<512xi32, #tpu.memory_space<vmem>>, vector<16xi32>,
    %swap3A_372 = vector.shape_cast %swap3A_371 : vector<16xi32> to vector<16xi32>
    %swap3A_373 = vector.shape_cast %select_n3A_369 : vector<16xi32> to vector<16xi32>
    tpu.vector_store %arg5[%swap3A_370], %swap3A_373 {strides = array<i32>} : memref<512xi32, #tpu.memory_space<vmem>>, vector<16xi32>,
    %get3A_374 = arith.constant 464 : index
    %get3A_375 = tpu.vector_load %arg5[%get3A_374] {strides = array<i32>} : memref<512xi32, #tpu.memory_space<vmem>>, vector<16xi32>,
    %get3A_376 = vector.shape_cast %get3A_375 : vector<16xi32> to vector<16xi32>
    %eq3A_377 = arith.constant -1 : i32
    %eq3A_378 = vector.broadcast %eq3A_377 : i32 to vector<16xi32>
    %eq3A_379 = arith.cmpi eq, %get3A_376, %eq3A_378 : vector<16xi32>
    %jit3A_380 = arith.constant 1000000 : i32
    %broadcast_in_dim3A_381 = vector.broadcast %jit3A_380 : i32 to vector<16xi32>
    %select_n3A_382 = arith.select %eq3A_379, %broadcast_in_dim3A_381, %get3A_376 : vector<16xi1>, vector<16xi32>
    %swap3A_383 = arith.constant 464 : index
    %swap3A_384 = tpu.vector_load %arg5[%swap3A_383] {strides = array<i32>} : memref<512xi32, #tpu.memory_space<vmem>>, vector<16xi32>,
    %swap3A_385 = vector.shape_cast %swap3A_384 : vector<16xi32> to vector<16xi32>
    %swap3A_386 = vector.shape_cast %select_n3A_382 : vector<16xi32> to vector<16xi32>
    tpu.vector_store %arg5[%swap3A_383], %swap3A_386 {strides = array<i32>} : memref<512xi32, #tpu.memory_space<vmem>>, vector<16xi32>,
    %get3A_387 = arith.constant 480 : index
    %get3A_388 = tpu.vector_load %arg5[%get3A_387] {strides = array<i32>} : memref<512xi32, #tpu.memory_space<vmem>>, vector<16xi32>,
    %get3A_389 = vector.shape_cast %get3A_388 : vector<16xi32> to vector<16xi32>
    %eq3A_390 = arith.constant -1 : i32
    %eq3A_391 = vector.broadcast %eq3A_390 : i32 to vector<16xi32>
    %eq3A_392 = arith.cmpi eq, %get3A_389, %eq3A_391 : vector<16xi32>
    %jit3A_393 = arith.constant 1000000 : i32
    %broadcast_in_dim3A_394 = vector.broadcast %jit3A_393 : i32 to vector<16xi32>
    %select_n3A_395 = arith.select %eq3A_392, %broadcast_in_dim3A_394, %get3A_389 : vector<16xi1>, vector<16xi32>
    %swap3A_396 = arith.constant 480 : index
    %swap3A_397 = tpu.vector_load %arg5[%swap3A_396] {strides = array<i32>} : memref<512xi32, #tpu.memory_space<vmem>>, vector<16xi32>,
    %swap3A_398 = vector.shape_cast %swap3A_397 : vector<16xi32> to vector<16xi32>
    %swap3A_399 = vector.shape_cast %select_n3A_395 : vector<16xi32> to vector<16xi32>
    tpu.vector_store %arg5[%swap3A_396], %swap3A_399 {strides = array<i32>} : memref<512xi32, #tpu.memory_space<vmem>>, vector<16xi32>,
    %get3A_400 = arith.constant 496 : index
    %get3A_401 = tpu.vector_load %arg5[%get3A_400] {strides = array<i32>} : memref<512xi32, #tpu.memory_space<vmem>>, vector<16xi32>,
    %get3A_402 = vector.shape_cast %get3A_401 : vector<16xi32> to vector<16xi32>
    %eq3A_403 = arith.constant -1 : i32
    %eq3A_404 = vector.broadcast %eq3A_403 : i32 to vector<16xi32>
    %eq3A_405 = arith.cmpi eq, %get3A_402, %eq3A_404 : vector<16xi32>
    %jit3A_406 = arith.constant 1000000 : i32
    %broadcast_in_dim3A_407 = vector.broadcast %jit3A_406 : i32 to vector<16xi32>
    %select_n3A_408 = arith.select %eq3A_405, %broadcast_in_dim3A_407, %get3A_402 : vector<16xi1>, vector<16xi32>
    %swap3A_409 = arith.constant 496 : index
    %swap3A_410 = tpu.vector_load %arg5[%swap3A_409] {strides = array<i32>} : memref<512xi32, #tpu.memory_space<vmem>>, vector<16xi32>,
    %swap3A_411 = vector.shape_cast %swap3A_410 : vector<16xi32> to vector<16xi32>
    %swap3A_412 = vector.shape_cast %select_n3A_408 : vector<16xi32> to vector<16xi32>
    tpu.vector_store %arg5[%swap3A_409], %swap3A_412 {strides = array<i32>} : memref<512xi32, #tpu.memory_space<vmem>>, vector<16xi32>,
    %dma_start3A = arith.constant 0 : i32
    %dma_start3A_413 = arith.constant 0 : i32
    %dma_start3A_414 = tpu.memref_slice %arg6[%dma_start3A, %dma_start3A_413] : memref<512x64xf32, #tpu.memory_space<vmem>> -> memref<128x64xf32, #tpu.memory_space<vmem>>
    %dma_start3A_415 = arith.constant 0 : i32
    %dma_start3A_416 = tpu.memref_slice %arg5[%dma_start3A_415] : memref<512xi32, #tpu.memory_space<vmem>> -> memref<128xi32, #tpu.memory_space<vmem>>
    %dma_start3A_417 = arith.constant 0 : i32
    %dma_start3A_418 = arith.constant 0 : i32
    %dma_start3A_419 = tpu.memref_slice %arg3[%dma_start3A_417, %dma_start3A_418] : memref<1000001x64xf32, #tpu.memory_space<hbm>> -> memref<1000001x64xf32, #tpu.memory_space<hbm>>
    tpu.enqueue_indirect_dma source(%dma_start3A_419 : memref<1000001x64xf32, #tpu.memory_space<hbm>>) target(%dma_start3A_414 : memref<128x64xf32, #tpu.memory_space<vmem>>) offsets(%dma_start3A_416 : memref<128xi32, #tpu.memory_space<vmem>>) semaphore(%arg7 : memref<!tpu.dma_semaphore, #tpu.memory_space<semaphore_mem>>)
    %dma_start3A_420 = arith.constant 128 : i32
    %dma_start3A_421 = arith.constant 0 : i32
    %dma_start3A_422 = tpu.memref_slice %arg6[%dma_start3A_420, %dma_start3A_421] : memref<512x64xf32, #tpu.memory_space<vmem>> -> memref<128x64xf32, #tpu.memory_space<vmem>>
    %dma_start3A_423 = arith.constant 128 : i32
    %dma_start3A_424 = tpu.memref_slice %arg5[%dma_start3A_423] : memref<512xi32, #tpu.memory_space<vmem>> -> memref<128xi32, #tpu.memory_space<vmem>>
    %dma_start3A_425 = arith.constant 0 : i32
    %dma_start3A_426 = arith.constant 0 : i32
    %dma_start3A_427 = tpu.memref_slice %arg3[%dma_start3A_425, %dma_start3A_426] : memref<1000001x64xf32, #tpu.memory_space<hbm>> -> memref<1000001x64xf32, #tpu.memory_space<hbm>>
    tpu.enqueue_indirect_dma source(%dma_start3A_427 : memref<1000001x64xf32, #tpu.memory_space<hbm>>) target(%dma_start3A_422 : memref<128x64xf32, #tpu.memory_space<vmem>>) offsets(%dma_start3A_424 : memref<128xi32, #tpu.memory_space<vmem>>) semaphore(%arg7 : memref<!tpu.dma_semaphore, #tpu.memory_space<semaphore_mem>>)
    %dma_start3A_428 = arith.constant 256 : i32
    %dma_start3A_429 = arith.constant 0 : i32
    %dma_start3A_430 = tpu.memref_slice %arg6[%dma_start3A_428, %dma_start3A_429] : memref<512x64xf32, #tpu.memory_space<vmem>> -> memref<128x64xf32, #tpu.memory_space<vmem>>
    %dma_start3A_431 = arith.constant 256 : i32
    %dma_start3A_432 = tpu.memref_slice %arg5[%dma_start3A_431] : memref<512xi32, #tpu.memory_space<vmem>> -> memref<128xi32, #tpu.memory_space<vmem>>
    %dma_start3A_433 = arith.constant 0 : i32
    %dma_start3A_434 = arith.constant 0 : i32
    %dma_start3A_435 = tpu.memref_slice %arg3[%dma_start3A_433, %dma_start3A_434] : memref<1000001x64xf32, #tpu.memory_space<hbm>> -> memref<1000001x64xf32, #tpu.memory_space<hbm>>
    tpu.enqueue_indirect_dma source(%dma_start3A_435 : memref<1000001x64xf32, #tpu.memory_space<hbm>>) target(%dma_start3A_430 : memref<128x64xf32, #tpu.memory_space<vmem>>) offsets(%dma_start3A_432 : memref<128xi32, #tpu.memory_space<vmem>>) semaphore(%arg7 : memref<!tpu.dma_semaphore, #tpu.memory_space<semaphore_mem>>)
    %dma_start3A_436 = arith.constant 384 : i32
    %dma_start3A_437 = arith.constant 0 : i32
    %dma_start3A_438 = tpu.memref_slice %arg6[%dma_start3A_436, %dma_start3A_437] : memref<512x64xf32, #tpu.memory_space<vmem>> -> memref<128x64xf32, #tpu.memory_space<vmem>>
    %dma_start3A_439 = arith.constant 384 : i32
    %dma_start3A_440 = tpu.memref_slice %arg5[%dma_start3A_439] : memref<512xi32, #tpu.memory_space<vmem>> -> memref<128xi32, #tpu.memory_space<vmem>>
    %dma_start3A_441 = arith.constant 0 : i32
    %dma_start3A_442 = arith.constant 0 : i32
    %dma_start3A_443 = tpu.memref_slice %arg3[%dma_start3A_441, %dma_start3A_442] : memref<1000001x64xf32, #tpu.memory_space<hbm>> -> memref<1000001x64xf32, #tpu.memory_space<hbm>>
    tpu.enqueue_indirect_dma source(%dma_start3A_443 : memref<1000001x64xf32, #tpu.memory_space<hbm>>) target(%dma_start3A_438 : memref<128x64xf32, #tpu.memory_space<vmem>>) offsets(%dma_start3A_440 : memref<128xi32, #tpu.memory_space<vmem>>) semaphore(%arg7 : memref<!tpu.dma_semaphore, #tpu.memory_space<semaphore_mem>>)
    %dma_wait3A = arith.constant 0 : i32
    %dma_wait3A_444 = arith.constant 0 : i32
    %dma_wait3A_445 = tpu.memref_slice %arg6[%dma_wait3A, %dma_wait3A_444] : memref<512x64xf32, #tpu.memory_space<vmem>> -> memref<128x64xf32, #tpu.memory_space<vmem>>
    %dma_wait3A_446 = arith.constant 0 : i32
    %dma_wait3A_447 = tpu.memref_slice %arg5[%dma_wait3A_446] : memref<512xi32, #tpu.memory_space<vmem>> -> memref<128xi32, #tpu.memory_space<vmem>>
    %dma_wait3A_448 = arith.constant 0 : i32
    %dma_wait3A_449 = arith.constant 0 : i32
    %dma_wait3A_450 = tpu.memref_slice %arg3[%dma_wait3A_448, %dma_wait3A_449] : memref<1000001x64xf32, #tpu.memory_space<hbm>> -> memref<1000001x64xf32, #tpu.memory_space<hbm>>
    tpu.wait_indirect_dma semaphore(%arg7 : memref<!tpu.dma_semaphore, #tpu.memory_space<semaphore_mem>>) src(%dma_wait3A_450 : memref<1000001x64xf32, #tpu.memory_space<hbm>>) dst(%dma_wait3A_445 : memref<128x64xf32, #tpu.memory_space<vmem>>)
    %dma_wait3A_451 = arith.constant 128 : i32
    %dma_wait3A_452 = arith.constant 0 : i32
    %dma_wait3A_453 = tpu.memref_slice %arg6[%dma_wait3A_451, %dma_wait3A_452] : memref<512x64xf32, #tpu.memory_space<vmem>> -> memref<128x64xf32, #tpu.memory_space<vmem>>
    %dma_wait3A_454 = arith.constant 128 : i32
    %dma_wait3A_455 = tpu.memref_slice %arg5[%dma_wait3A_454] : memref<512xi32, #tpu.memory_space<vmem>> -> memref<128xi32, #tpu.memory_space<vmem>>
    %dma_wait3A_456 = arith.constant 0 : i32
    %dma_wait3A_457 = arith.constant 0 : i32
    %dma_wait3A_458 = tpu.memref_slice %arg3[%dma_wait3A_456, %dma_wait3A_457] : memref<1000001x64xf32, #tpu.memory_space<hbm>> -> memref<1000001x64xf32, #tpu.memory_space<hbm>>
    tpu.wait_indirect_dma semaphore(%arg7 : memref<!tpu.dma_semaphore, #tpu.memory_space<semaphore_mem>>) src(%dma_wait3A_458 : memref<1000001x64xf32, #tpu.memory_space<hbm>>) dst(%dma_wait3A_453 : memref<128x64xf32, #tpu.memory_space<vmem>>)
    %dma_wait3A_459 = arith.constant 256 : i32
    %dma_wait3A_460 = arith.constant 0 : i32
    %dma_wait3A_461 = tpu.memref_slice %arg6[%dma_wait3A_459, %dma_wait3A_460] : memref<512x64xf32, #tpu.memory_space<vmem>> -> memref<128x64xf32, #tpu.memory_space<vmem>>
    %dma_wait3A_462 = arith.constant 256 : i32
    %dma_wait3A_463 = tpu.memref_slice %arg5[%dma_wait3A_462] : memref<512xi32, #tpu.memory_space<vmem>> -> memref<128xi32, #tpu.memory_space<vmem>>
    %dma_wait3A_464 = arith.constant 0 : i32
    %dma_wait3A_465 = arith.constant 0 : i32
    %dma_wait3A_466 = tpu.memref_slice %arg3[%dma_wait3A_464, %dma_wait3A_465] : memref<1000001x64xf32, #tpu.memory_space<hbm>> -> memref<1000001x64xf32, #tpu.memory_space<hbm>>
    tpu.wait_indirect_dma semaphore(%arg7 : memref<!tpu.dma_semaphore, #tpu.memory_space<semaphore_mem>>) src(%dma_wait3A_466 : memref<1000001x64xf32, #tpu.memory_space<hbm>>) dst(%dma_wait3A_461 : memref<128x64xf32, #tpu.memory_space<vmem>>)
    %dma_wait3A_467 = arith.constant 384 : i32
    %dma_wait3A_468 = arith.constant 0 : i32
    %dma_wait3A_469 = tpu.memref_slice %arg6[%dma_wait3A_467, %dma_wait3A_468] : memref<512x64xf32, #tpu.memory_space<vmem>> -> memref<128x64xf32, #tpu.memory_space<vmem>>
    %dma_wait3A_470 = arith.constant 384 : i32
    %dma_wait3A_471 = tpu.memref_slice %arg5[%dma_wait3A_470] : memref<512xi32, #tpu.memory_space<vmem>> -> memref<128xi32, #tpu.memory_space<vmem>>
    %dma_wait3A_472 = arith.constant 0 : i32
    %dma_wait3A_473 = arith.constant 0 : i32
    %dma_wait3A_474 = tpu.memref_slice %arg3[%dma_wait3A_472, %dma_wait3A_473] : memref<1000001x64xf32, #tpu.memory_space<hbm>> -> memref<1000001x64xf32, #tpu.memory_space<hbm>>
    tpu.wait_indirect_dma semaphore(%arg7 : memref<!tpu.dma_semaphore, #tpu.memory_space<semaphore_mem>>) src(%dma_wait3A_474 : memref<1000001x64xf32, #tpu.memory_space<hbm>>) dst(%dma_wait3A_469 : memref<128x64xf32, #tpu.memory_space<vmem>>)
    "tpu.region"() ({
      %run_scoped3A = tpu.sem_alloc : memref<!tpu.dma_semaphore, #tpu.memory_space<semaphore_mem>>
      %dma_start3A_475 = arith.constant 0 : i32
      %dma_start3A_476 = tpu.memref_slice %arg4[%mul3A_2, %dma_start3A_475] : memref<16384x64xf32, #tpu.memory_space<hbm>> -> memref<512x64xf32, #tpu.memory_space<hbm>>
      %dma_start3A_477 = arith.constant 0 : i32
      %dma_start3A_478 = tpu.memref_slice %arg4[%mul3A_2, %dma_start3A_477] : memref<16384x64xf32, #tpu.memory_space<hbm>> -> memref<512x64xf32, #tpu.memory_space<hbm>>
      tpu.enqueue_dma source(%arg6 : memref<512x64xf32, #tpu.memory_space<vmem>>) target(%dma_start3A_478 : memref<512x64xf32, #tpu.memory_space<hbm>>) target_semaphore(%run_scoped3A : memref<!tpu.dma_semaphore, #tpu.memory_space<semaphore_mem>>)
      %dma_wait3A_479 = arith.constant 0 : i32
      %dma_wait3A_480 = tpu.memref_slice %arg4[%mul3A_2, %dma_wait3A_479] : memref<16384x64xf32, #tpu.memory_space<hbm>> -> memref<512x64xf32, #tpu.memory_space<hbm>>
      %dma_wait3A_481 = arith.constant 0 : i32
      %dma_wait3A_482 = tpu.memref_slice %arg4[%mul3A_2, %dma_wait3A_481] : memref<16384x64xf32, #tpu.memory_space<hbm>> -> memref<512x64xf32, #tpu.memory_space<hbm>>
      tpu.wait_dma2 semaphore(%run_scoped3A : memref<!tpu.dma_semaphore, #tpu.memory_space<semaphore_mem>>) src(%arg6 : memref<512x64xf32, #tpu.memory_space<vmem>>) dst(%dma_wait3A_482 : memref<512x64xf32, #tpu.memory_space<hbm>>)
      tpu.yield
    }) : () -> ()
    return
  }
}

</mosaic_0001>

<sc_bundles>
// kernel: kernel.3.cloned.1.call-start
scs
__scs_entry_jumppad:
0x0: {  	(pc) =	sbr.rel $0x88, $3  }
0x1: {  	(tag) =	ssettag $0x0;
	lr =	simm.s32 $0x1  }
0x2: {  	[smem:$0x3F9F] =	sst lr;
	_ =	strace $0xD0000000  }
0x3: {  	_ = 	snop  }
0x4: {  	_ = 	snop  }
0x5: {  	_ = 	snop  }
0x6: {  	_ = 	snop  }
0x7: {  	_ = 	snop  }
__scs_overlays_trampoline_lowered:
0x8: {  	[smem:$0x3FAE] =	sst s0  }
0x9: {  	[smem:$0x3FAF] =	sst s1  }
0xa: {  	[smem:$0x3FB0] =	sst s2  }
0xb: {  	[smem:$0x3FB1] =	sst s3  }
0xc: {  	[smem:$0x3FB2] =	sst s4  }
0xd: {  	[smem:$0x3FB3] =	sst s5  }
0xe: {  	[smem:$0x3FB4] =	sst s6  }
0xf: {  	[smem:$0x3FB5] =	sst s7  }
0x10: {  	[smem:$0x3FB6] =	sst s8  }
0x11: {  	[smem:$0x3FB7] =	sst s9;
	s0 =	simm.s32 @!p0 $0x0  }
0x12: {  	s1 =	sld [smem:$0x3F9D];
	s0 =	simm.s32 @p0 $0x1  }
0x13: {  	[smem:$0x3FB8] =	sst s0;
	s0 =	simm.s32 @!p1 $0x0  }
0x14: {  	s2 =	sld [smem:$0x3F9C];
	s0 =	simm.s32 @p1 $0x1  }
0x15: {  	[smem:$0x3FB9] =	sst s0;
	s0 =	simm.s32 @!p2 $0x0  }
0x16: {  	s3 =	sld [smem:$0x3FDB];
	s0 =	simm.s32 @p2 $0x1  }
0x17: {  	s4 =	simm.s32 $0x1BF5;
	[smem:$0x3FBB] =	sst s0  }
0x18: {  	s0 =	sld [smem:$0x3F9E];
	_ =	swait.ge [sflag:s4], $0x0  }
0x19: {  	s7 =	sld [smem:$0x3F9F]  }
0x1a: {  	s8 =	sadd.s32 $0xFFFFE003, lr  }
0x1b: {  	s9 =	sadd.s32 $0xFFFFFEF7, lr;
	s5 =	simm.s32 $0xFFFFFFFF;
	p2 =	slt.u32 s8, $0xFFFFF086  }
0x1c: {  	p1 =	slt.u32 s9, $0xF7A;
	s5 =	simm.s32 @!p2 $0x0  }
0x1d: {  	s5 =	simm.s32 @p1 $0x1;
	p0 =	seq.s32 s7, s2  }
0x1e: {  	s7 =	smul.u32 @!p0 $0xF7A, s2;
	p2 =	seq.s32 @!p0 s5, $0x0  }
0x1f: {  	s9 =	smul.u32 $0xF7A, s1;
	s8 =	simm.s32 @!p0 $0x1BF5;
	p2 =	por !p2, p0  }
0x20: {  	[sflag:s8] =	ssyncset.s32 @!p0 $0xFFFFF086;
	s6 =	sadd.s32 @!p0 s3, s7;
	s7 =	simm.s32 @!p0 $0x108  }
0x21: {  	s3 =	sadd.s32 s3, s9;
	s6 =	sadd.s32 @!p0 $0x88, s6;
	s7 =	simm.s32 @p2 $0x1082  }
0x22: {  	[simem:s7], [sflag:s8] =	dma.local @!p0 [hbm:s6], $0xF7A  }
0x23: {  	s9 =	sor.u32 $0xD0000000, s2;
	s6 =	simm.s32 $0x108;
	_ =	swait.ge @!p0 [sflag:s8], $0x0  }
0x24: {  	s3 =	sadd.s32 $0x88, s3;
	s6 =	simm.s32 @!p1 $0x1082;
	[sflag:s4] =	ssyncset.s32 $0xFFFFF086  }
0x25: {  	[simem:s6], [sflag:s4] =	dma.local [hbm:s3], $0xF7A  }
0x26: {  	[smem:$0x3F9F] =	sst s1;
	(tag) =	ssettag s2;
	_ =	strace s9  }
0x27: {  	s1 =	sld [smem:$0x3FAF]  }
0x28: {  	s2 =	sld [smem:$0x3FB0]  }
0x29: {  	s4 =	sld [smem:$0x3FB2]  }
0x2a: {  	p0 =	seq.s32 s5, $0x0;
	s5 =	sld [smem:$0x3FB3]  }
0x2b: {  	s6 =	sld [smem:$0x3FB4]  }
0x2c: {  	s7 =	sld [smem:$0x3FB5]  }
0x2d: {  	s3 =	simm.s32 $0x108;
	s8 =	sld [smem:$0x3FB6]  }
0x2e: {  	s3 =	simm.s32 @!p0 $0x1082;
	s9 =	sld [smem:$0x3FB7]  }
0x2f: {  	lr =	sadd.s32 s0, s3;
	s0 =	sld [smem:$0x3FAE]  }
0x30: {  	s3 =	sld [smem:$0x3FB1]  }
0x31: {  	[smem:$0x3FBA] =	sst s10  }
0x32: {  	s10 =	sld [smem:$0x3FB8];
	_ =	sdelay $0x3  }
0x33: {  	p0 =	seq.s32 s10, $0x1;
	s10 =	sld [smem:$0x3FBA];
	_ =	sdelay $0x3  }
0x34: {  	[smem:$0x3FBA] =	sst s10  }
0x35: {  	s10 =	sld [smem:$0x3FB9];
	_ =	sdelay $0x3  }
0x36: {  	p1 =	seq.s32 s10, $0x1;
	s10 =	sld [smem:$0x3FBA];
	_ =	sdelay $0x3  }
0x37: {  	[smem:$0x3FBA] =	sst s10  }
0x38: {  	s10 =	sld [smem:$0x3FBB]  }
0x39: {  	_ = 	snop;
	(pc) =	sbr.ind lr, $3  }
0x3a: {  	_ = 	snop  }
0x3b: {  	_ = 	snop  }
0x3c: {  	p2 =	seq.s32 s10, $0x1;
	s10 =	sld [smem:$0x3FBA]  }
0x3d: {  	_ =	shalt  }
0x3e: {  	_ =	shalt  }
0x3f: {  	_ =	shalt  }
0x40: {  	_ =	shalt  }
0x41: {  	_ =	shalt  }
0x42: {  	_ =	shalt  }
0x43: {  	_ =	shalt  }
0x44: {  	_ =	shalt  }
0x45: {  	_ =	shalt  }
0x46: {  	_ =	shalt  }
0x47: {  	_ =	shalt  }
0x48: {  	_ =	shalt  }
0x49: {  	_ =	shalt  }
0x4a: {  	_ =	shalt  }
0x4b: {  	_ =	shalt  }
0x4c: {  	_ =	shalt  }
0x4d: {  	_ =	shalt  }
0x4e: {  	_ =	shalt  }
0x4f: {  	_ =	shalt  }
0x50: {  	_ =	shalt  }
0x51: {  	_ =	shalt  }
0x52: {  	_ =	shalt  }
0x53: {  	_ =	shalt  }
0x54: {  	_ =	shalt  }
0x55: {  	_ =	shalt  }
0x56: {  	_ =	shalt  }
0x57: {  	_ =	shalt  }
0x58: {  	_ =	shalt  }
0x59: {  	_ =	shalt  }
0x5a: {  	_ =	shalt  }
0x5b: {  	_ =	shalt  }
0x5c: {  	_ =	shalt  }
0x5d: {  	_ =	shalt  }
0x5e: {  	_ =	shalt  }
0x5f: {  	_ =	shalt  }
0x60: {  	_ =	shalt  }
0x61: {  	_ =	shalt  }
0x62: {  	_ =	shalt  }
0x63: {  	_ =	shalt  }
0x64: {  	_ =	shalt  }
0x65: {  	_ =	shalt  }
0x66: {  	_ =	shalt  }
0x67: {  	_ =	shalt  }
0x68: {  	_ =	shalt  }
0x69: {  	_ =	shalt  }
0x6a: {  	_ =	shalt  }
0x6b: {  	_ =	shalt  }
0x6c: {  	_ =	shalt  }
0x6d: {  	_ =	shalt  }
0x6e: {  	_ =	shalt  }
0x6f: {  	_ =	shalt  }
0x70: {  	_ =	shalt  }
0x71: {  	_ =	shalt  }
0x72: {  	_ =	shalt  }
0x73: {  	_ =	shalt  }
0x74: {  	_ =	shalt  }
0x75: {  	_ =	shalt  }
0x76: {  	_ =	shalt  }
0x77: {  	_ =	shalt  }
0x78: {  	_ =	shalt  }
0x79: {  	_ =	shalt  }
0x7a: {  	_ =	shalt  }
0x7b: {  	_ =	shalt  }
0x7c: {  	_ =	shalt  }
0x7d: {  	_ =	shalt  }
0x7e: {  	_ =	shalt  }
0x7f: {  	_ =	shalt  }
0x80: {  	_ =	shalt  }
0x81: {  	_ =	shalt  }
0x82: {  	_ =	shalt  }
0x83: {  	_ =	shalt  }
0x84: {  	_ =	shalt  }
0x85: {  	_ =	shalt  }
0x86: {  	_ =	shalt  }
0x87: {  	_ =	shalt  }
.Lfunc_end0:
.L_simem_size_0:
called_computation_lowered:
.L_overlay_start_0:
0x88: {  	s2 =	sld [smem:$0x3FD9]  }
0x89: {  	s3 =	sld [smem:$0x3FFE];
	_ =	sdelay $0x1  }
0x8a: {  	s1 =	srdreg.scid  }
0x8b: {  	s0 =	sand.u32 $0x1, s1  }
0x8c: {  	s17 =	sshll.u32 s0, $0xA;
	s2 =	sadd.s32 s3, s2  }
0x8d: {  	s2 =	sadd.s32 s2, s17  }
0x8e: {  	[smem:$0x3FC6] =	sst s2  }
0x8f: {  	_ = 	snop  }
0x90: {  	s2 =	sld [smem:$0x3FC9]  }
0x91: {  	s18 =	sld [smem:$0x3FD0];
	(tm) =	ssettm $0x1  }
0x92: {  	s4 =	sld [smem:$0x3FFB];
	_ =	sdelay $0x3  }
0x93: {  	_ =	strace s4  }
0x94: {  	s4 =	sld [smem:$0x3FFC];
	_ =	sdelay $0x3  }
0x95: {  	_ =	strace s4  }
0x96: {  	s4 =	sld [smem:$0x3FFD];
	_ =	sdelay $0x3  }
0x97: {  	_ =	strace s4  }
0x98: {  	_ =	strace $0x8FFFFFFF  }
0x99: {  	s19 =	sld [smem:$0x3FDB];
	_ =	sdelay $0x1  }
0x9a: {  	s5 =	simm.s32 $_scs_section_size  }
0x9b: {  	s6 =	simm.s32 $_size__tile_overlayer_lowered;
	s7 =	simm.s32 $_tile_overlayer_lowered  }
0x9c: {  	s22 =	simm.s32 $0x1BFF;
	s21 =	sshll.u32 s7, $0x1;
	s4 =	sadd.s32 s5, s19  }
0x9d: {  	s8 =	simm.s32 $0x0;
	s20 =	sshll.u32 s6, $0x1;
	s6 =	sadd.s32 s21, s4  }
0x9e: {  	[timem:s8], [sflag:s22] =	dma.local [hbm:s6], s20  }
0x9f: {  	_ =	swait.ge [sflag:s22], s20  }
0xa0: {  	s5 =	ssub.s32 $0x0, s20;
	[sflag:s22] =	ssyncset.done $0x0  }
0xa1: {  	[sflag:s22] =	ssyncadd.s32 s5;
	_ =	sdelay $0x1  }
0xa2: {  	s23 =	simm.s32 $0x1B8B  }
0xa3: {  	_ =	swait.ge [sflag:s23], $0x1  }
0xa4: {  	[sflag:s23] =	ssyncset.done $0x0  }
0xa5: {  	s25 =	simm.s32 $0x1B8E;
	s24 =	sld [smem:$0x3FFE];
	[sflag:s23] =	ssyncadd.s32 $0xFFFFFFFF  }
0xa6: {  	s26 =	simm.s32 $execute0_lowered;
	[smem:$0x3FD2] =	sst s25  }
0xa7: {  	s6 =	sshll.u32 s26, $0x1;
	_ =	strace $0x80000046;
	[dreg:$0x1] =	wrdreg $0xFFFFFFFF  }
0xa8: {  	s28 =	simm.s32 $_size_execute0_lowered;
	s4 =	sadd.s32 s4, s6;
	[dreg:$0x0] =	wrdreg $0x0  }
0xa9: {  	s6 =	sshll.u32 s28, $0x1;
	[dreg:$0x2] =	wrdreg s4  }
0xaa: {  	[dreg:$0x3] =	wrdreg s6  }
0xab: {  	[dreg:$0x4] =	wrdreg $0xC0  }
0xac: {  	_ =	task [dreg:s8], $0x5FFFF  }
0xad: {  	[dreg:$0x1] =	wrdreg $0xFFFFFFFF  }
0xae: {  	[dreg:$0x0] =	wrdreg $0x60  }
0xaf: {  	[dreg:$0x2] =	wrdreg s2  }
0xb0: {  	[dreg:$0x3] =	wrdreg s24  }
0xb1: {  	[dreg:$0x4] =	wrdreg s18  }
0xb2: {  	[dreg:$0x5] =	wrdreg $0x9  }
0xb3: {  	_ =	task.clear_ibuf [dreg:s8], $0x6FFFF;
	_ =	strace $0x90000046  }
0xb4: {  	s29 =	simm.s32 $0x9;
	_ =	strace $0x80000048  }
0xb5: {  	_ =	swait.ge [sflag:s29], $0x1  }
0xb6: {  	[sflag:s29] =	ssyncadd.s32 $0xFFFFFFFF  }
0xb7: {  	_ =	strace $0x90000048  }
0xb8: {  	_ =	sfence  }
0xb9: {  	s30 =	sld [smem:$0x0];
	_ =	sdelay $0x2  }
0xba: {  	s31 =	sshll.u32 s1, $0xD;
	s1 =	sshrl.u32 s1, $0x2  }
0xbb: {  	s3 =	sand.u32 $0x4000, s31;
	s1 =	sadd.s32 s1, s30  }
0xbc: {  	s0 =	sor.u32 s3, s0;
	s1 =	sshll.u32 s1, $0x11  }
0xbd: {  	s0 =	sor.u32 s1, s0  }
0xbe: {  	s0 =	sadd.s32 $0x8F2B, s0  }
0xbf: {  	[sflag:s0] =	ssyncadd.remote.s32 $0x1  }
0xc0: {  	_ =	sfence.sel $0xFFFF  }
0xc1: {  	[dreg:$0x0] =	wrdreg $0xFFFFFFFF;
	(pc) =	sbr.abs _section_cstart, $3  }
0xc2: {  	[dreg:$0x1] =	wrdreg $0xFFFFFFFF  }
0xc3: {  	_ =	task.clear_ibuf [dreg:s8], $0x2FFFF;
	_ =	strace $0x9FFFFFFF  }
0xc4: {  	(tm) =	ssettm $0x7FFFFFFF  }
0xc5: {  	_ =	shalt  }
tec
execute0_lowered:
.L_overlay_start_1:
0x0: {  	(tag) =	ssettag $0x1  }
0x1: {  	s3 =	rddreg [dreg:$0x0]  }
0x2: {  	s4 =	rddreg [dreg:$0x1];
	s6 =	srdreg.scid  }
0x3: {  	s5 =	rddreg [dreg:$0x2];
	s6 =	sand.u32 $0x1, s6  }
0x4: {  	s0 =	rddreg [dreg:$0x3];
	s2 =	simm.s32 $0x0;
	s7 =	ssub.s32 $0x2, s6  }
0x5: {  	s1 =	stileid.u32;
	s10 =	simm.s32 $0x100;
	s30 =	sshrl.u32 s7, $0x1  }
0x6: {  	s11 =	simm.s32 $0x4200;
	s12 =	simm.s32 $0x180;
	s7 =	ssub.s32 s7, s30  }
0x7: {  	s13 =	simm.s32 $0x6200;
	p0 =	por $0x0, $0x0;
	s15 =	smax.u32 s7, $0x1  }
0x8: {  	s8 =	sshll.u32 s1, $0xA;
	s9 =	sshll.u32 s6, $0x9;
	p1 =	sne.s32 s15, $0x1  }
.Ltmp0:
0x9: {  	[smem:$0x7FF] =	sst s2;
	s8 =	sor.u32 s9, s8;
	(pc) =	sbr.rel @!p1 .LBB2_3-.Ltmp0, $4  }
0xa: {  	_ =	strace $0x80000047;
	s6 =	sadd.s32 $0xF42A00, s4;
	s31 =	sshrl.u32 s8, $0x3  }
0xb: {  	s9 =	simm.s32 $0x2200;
	s8 =	sshll.u32 s8, $0x3;
	s14 =	sadd.s32 s3, s31  }
0xc: {  	s4 =	sadd.s32 s5, s8;
	s3 =	simm.s32 $0x2;
	s8 =	simm.s32 $0x80  }
0xd: {  	s5 =	simm.s32 $0x200;
	s7 =	simm.s32 $0x1;
	s15 =	sadd.s32 $0xFFFFFFFF, s15  }
0xe: {  	[tilespmem:s2], [sflag:$0x2] =	stream.linear.gather [hbm4b:s14+s2], $0x200, $0x38;
	[tilespmem:$0x8200] =	vst v63  }
0xf: {  	_ =	swait.ge [sflag:s3], $0x200  }
0x10: {  	[sflag:s3] =	ssyncset.done $0x0  }
0x11: {  	[sflag:s3] =	ssyncadd.s32 $0xFFFFFE00  }
0x12: {  	v0 =	vld [tilespmem:$0x130]  }
0x13: {  	v1 =	vld [tilespmem:$0x120]  }
0x14: {  	v2 =	vld [tilespmem:$0x170]  }
0x15: {  	v6 =	vld [tilespmem:$0x1C0]  }
0x16: {  	v3 =	vld [tilespmem:$0x180]  }
0x17: {  	v4 =	vld [tilespmem:$0xF0]  }
0x18: {  	v5 =	vld [tilespmem:$0x1F0];
	vm0 =	veq.s32 v0, $0xFFFFFFFF  }
0x19: {  	v7 =	vld [tilespmem:$0x190];
	vm1 =	veq.s32 v1, $0xFFFFFFFF;
	v0 =	vsel vm0, $0xF4240, v0  }
0x1a: {  	v52 =	vld [tilespmem:$0x40];
	vm14 =	veq.s32 v6, $0xFFFFFFFF;
	v1 =	vsel vm1, $0xF4240, v1;
	[tilespmem:$0x130] =	vst v0  }
0x1b: {  	vm10 =	veq.s32 v2, $0xFFFFFFFF;
	v50 =	vsel vm14, $0xF4240, v6;
	v0 =	vld [tilespmem:$0x1A0];
	[tilespmem:$0x120] =	vst v1  }
0x1c: {  	vm11 =	veq.s32 v3, $0xFFFFFFFF;
	v1 =	vsel vm10, $0xF4240, v2;
	v2 =	vld [tilespmem:$0x1D0];
	[tilespmem:$0x1C0] =	vst v50  }
0x1d: {  	v49 =	vld [tilespmem:$0xE0];
	vm12 =	veq.s32 v4, $0xFFFFFFFF;
	[tilespmem:$0x170] =	vst v1;
	v1 =	vsel vm11, $0xF4240, v3  }
0x1e: {  	vm13 =	veq.s32 v5, $0xFFFFFFFF;
	v3 =	vsel vm12, $0xF4240, v4;
	[tilespmem:$0x180] =	vst v1;
	v1 =	vld [tilespmem:$0x1B0]  }
0x1f: {  	v51 =	vld [tilespmem:$0x80];
	vm10 =	veq.s32 v52, $0xFFFFFFFF;
	[tilespmem:$0xF0] =	vst v3;
	v3 =	vsel vm13, $0xF4240, v5  }
0x20: {  	v5 =	vsel vm10, $0xF4240, v52;
	[tilespmem:$0x1F0] =	vst v3;
	v3 =	vld [tilespmem:$0x20];
	vm15 =	veq.s32 v0, $0xFFFFFFFF  }
0x21: {  	v53 =	vld [tilespmem:$0x50];
	[tilespmem:$0x40] =	vst v5;
	vm4 =	veq.s32 v2, $0xFFFFFFFF;
	v0 =	vsel vm15, $0xF4240, v0  }
0x22: {  	v54 =	vld [tilespmem:$0x60];
	vm5 =	veq.s32 v7, $0xFFFFFFFF;
	[tilespmem:$0x1A0] =	vst v0;
	v0 =	vsel vm4, $0xF4240, v2  }
0x23: {  	v58 =	vld [tilespmem:$0x70];
	v2 =	vsel vm5, $0xF4240, v7;
	vm6 =	veq.s32 v1, $0xFFFFFFFF;
	[tilespmem:$0x1D0] =	vst v0  }
0x24: {  	vm7 =	veq.s32 v49, $0xFFFFFFFF;
	v0 =	vld [tilespmem:$0xA0];
	[tilespmem:$0x190] =	vst v2;
	v1 =	vsel vm6, $0xF4240, v1  }
0x25: {  	v2 =	vsel vm7, $0xF4240, v49;
	vm8 =	veq.s32 v3, $0xFFFFFFFF;
	[tilespmem:$0x1B0] =	vst v1;
	v1 =	vld [tilespmem:$0x1E0]  }
0x26: {  	vm9 =	veq.s32 v51, $0xFFFFFFFF;
	v3 =	vsel vm8, $0xF4240, v3;
	[tilespmem:$0xE0] =	vst v2  }
0x27: {  	vm11 =	veq.s32 v53, $0xFFFFFFFF;
	v2 =	vld [tilespmem:$0x10];
	[tilespmem:$0x20] =	vst v3;
	v3 =	vsel vm9, $0xF4240, v51  }
0x28: {  	v56 =	vsel vm11, $0xF4240, v53;
	vm7 =	veq.s32 v58, $0xFFFFFFFF;
	[tilespmem:$0x80] =	vst v3;
	v3 =	vld [tilespmem:$0xC0]  }
0x29: {  	v55 =	vld [tilespmem:$0x30];
	[tilespmem:$0x50] =	vst v56;
	v61 =	vsel vm7, $0xF4240, v58;
	vm12 =	veq.s32 v0, $0xFFFFFFFF  }
0x2a: {  	v57 =	vld [tilespmem:$0x110];
	vm14 =	veq.s32 v54, $0xFFFFFFFF;
	[tilespmem:$0x70] =	vst v61;
	v0 =	vsel vm12, $0xF4240, v0;
	vm13 =	veq.s32 v1, $0xFFFFFFFF  }
0x2b: {  	v59 =	vld [tilespmem:$0xD0];
	[tilespmem:$0xA0] =	vst v0;
	v0 =	vsel vm13, $0xF4240, v1;
	v1 =	vsel vm14, $0xF4240, v54  }
0x2c: {  	vm15 =	veq.s32 v2, $0xFFFFFFFF;
	[tilespmem:$0x60] =	vst v1;
	v1 =	vld [tilespmem:$0x90]  }
0x2d: {  	[tilespmem:$0x1E0] =	vst v0;
	v0 =	vsel vm15, $0xF4240, v2;
	vm4 =	veq.s32 v3, $0xFFFFFFFF;
	v2 =	vld [tilespmem:$0x160]  }
0x2e: {  	v60 =	vld [tilespmem:$0xB0];
	vm5 =	veq.s32 v55, $0xFFFFFFFF;
	[tilespmem:$0x10] =	vst v0;
	v0 =	vsel vm4, $0xF4240, v3  }
0x2f: {  	vm6 =	veq.s32 v57, $0xFFFFFFFF;
	v3 =	vsel vm5, $0xF4240, v55;
	[tilespmem:$0xC0] =	vst v0;
	v0 =	vld [tilespmem:$0x100]  }
0x30: {  	v62 =	vld [tilespmem:$0x140];
	vm8 =	veq.s32 v59, $0xFFFFFFFF;
	[tilespmem:$0x30] =	vst v3;
	v3 =	vsel vm6, $0xF4240, v57  }
0x31: {  	v4 =	vsel vm8, $0xF4240, v59;
	[tilespmem:$0x110] =	vst v3;
	v3 =	vld [tilespmem:$0x150];
	vm9 =	veq.s32 v1, $0xFFFFFFFF  }
0x32: {  	v63 =	vld [tilespmem:$0x0];
	[tilespmem:$0xD0] =	vst v4;
	vm10 =	veq.s32 v2, $0xFFFFFFFF;
	v1 =	vsel vm9, $0xF4240, v1  }
0x33: {  	p1 =	sne.s32 s15, $0x1;
	vm11 =	veq.s32 v60, $0xFFFFFFFF;
	[tilespmem:$0x90] =	vst v1;
	v1 =	vsel vm10, $0xF4240, v2  }
.Ltmp1:
0x34: {  	v2 =	vsel vm11, $0xF4240, v60;
	vm12 =	veq.s32 v0, $0xFFFFFFFF;
	[tilespmem:$0x160] =	vst v1;
	(pc) =	sbr.rel @!p1 .LBB2_3-.Ltmp1, $4  }
0x35: {  	vm14 =	veq.s32 v62, $0xFFFFFFFF;
	v0 =	vsel vm12, $0xF4240, v0;
	[tilespmem:$0xB0] =	vst v2  }
0x36: {  	vm13 =	veq.s32 v3, $0xFFFFFFFF;
	v1 =	vsel vm14, $0xF4240, v62;
	[tilespmem:$0x100] =	vst v0  }
0x37: {  	vm15 =	veq.s32 v63, $0xFFFFFFFF;
	v0 =	vsel vm13, $0xF4240, v3;
	[tilespmem:$0x140] =	vst v1  }
0x38: {  	s15 =	sadd.s32 $0xFFFFFFFF, s15;
	p0 =	por $0x1, $0x1;
	[tilespmem:$0x150] =	vst v0;
	v0 =	vsel vm15, $0xF4240, v63  }
.LBB2_2:
0x39: {  	p1 =	sne.s32 s15, $0x1;
	s15 =	sadd.s32 $0xFFFFFFFF, s15;
	[tilespmem:$0x0] =	vst v0  }
0x3a: {  	[tilespmem:s5], [sflag:$0x1] =	stream.indirect.gather [hbm4b:s6+s8], $0x40, s2, s8, $0xb8;
	[tilespmem:$0x8200] =	vst v63  }
0x3b: {  	_ = 	snop  }
0x3c: {  	[tilespmem:s9], [sflag:$0x1] =	stream.indirect.gather [hbm4b:s6+s8], $0x40, s8, s8, $0xb8;
	[tilespmem:$0x8200] =	vst v63  }
0x3d: {  	_ = 	snop  }
0x3e: {  	[tilespmem:s11], [sflag:$0x1] =	stream.indirect.gather [hbm4b:s6+s8], $0x40, s10, s8, $0xb8;
	[tilespmem:$0x8200] =	vst v63  }
0x3f: {  	_ = 	snop  }
0x40: {  	[tilespmem:s13], [sflag:$0x1] =	stream.indirect.gather [hbm4b:s6+s8], $0x40, s12, s8, $0xb8;
	[tilespmem:$0x8200] =	vst v63  }
0x41: {  	_ =	swait.ge [sflag:s7], $0x2000  }
0x42: {  	[sflag:s7] =	ssyncset.done $0x0  }
0x43: {  	[sflag:s7] =	ssyncadd.s32 $0xFFFFE000  }
0x44: {  	_ =	swait.ge [sflag:s7], $0x2000  }
0x45: {  	[sflag:s7] =	ssyncset.done $0x0  }
0x46: {  	[sflag:s7] =	ssyncadd.s32 $0xFFFFE000  }
0x47: {  	_ =	swait.ge [sflag:s7], $0x2000  }
0x48: {  	[sflag:s7] =	ssyncset.done $0x0  }
0x49: {  	[sflag:s7] =	ssyncadd.s32 $0xFFFFE000  }
0x4a: {  	_ =	swait.ge [sflag:s7], $0x2000  }
0x4b: {  	[sflag:s7] =	ssyncset.done $0x0  }
0x4c: {  	[sflag:s7] =	ssyncadd.s32 $0xFFFFE000  }
0x4d: {  	[hbm4b:s4+s2] =	stream.linear.scatter [tilespmem:s5], [sflag:$0x2], $0x8000, $0x38;
	[tilespmem:$0x8200] =	vst v63  }
0x4e: {  	_ =	swait.ge [sflag:s3], $0x8000  }
0x4f: {  	[sflag:s3] =	ssyncset.done $0x0  }
0x50: {  	[sflag:s3] =	ssyncadd.s32 $0xFFFF8000  }
0x51: {  	[tilespmem:s2], [sflag:$0x2] =	stream.linear.gather [hbm4b:s14+s2], $0x200, $0x38;
	[tilespmem:$0x8200] =	vst v63  }
0x52: {  	_ =	swait.ge [sflag:s3], $0x200  }
0x53: {  	[sflag:s3] =	ssyncset.done $0x0  }
0x54: {  	[sflag:s3] =	ssyncadd.s32 $0xFFFFFE00  }
0x55: {  	v0 =	vld [tilespmem:$0x120]  }
0x56: {  	v1 =	vld [tilespmem:$0x130]  }
0x57: {  	v2 =	vld [tilespmem:$0xF0]  }
0x58: {  	v3 =	vld [tilespmem:$0x170]  }
0x59: {  	v4 =	vld [tilespmem:$0x180]  }
0x5a: {  	v5 =	vld [tilespmem:$0xE0]  }
0x5b: {  	vm0 =	veq.s32 v0, $0xFFFFFFFF;
	vm1 =	veq.s32 v1, $0xFFFFFFFF;
	v6 =	vld [tilespmem:$0x1F0]  }
0x5c: {  	v0 =	vsel vm0, $0xF4240, v0;
	vm2 =	veq.s32 v2, $0xFFFFFFFF;
	v1 =	vsel vm1, $0xF4240, v1;
	v7 =	vld [tilespmem:$0x190]  }
0x5d: {  	v2 =	vsel vm2, $0xF4240, v2;
	[tilespmem:$0x130] =	vst v1;
	vm0 =	veq.s32 v3, $0xFFFFFFFF;
	v1 =	vld [tilespmem:$0x1C0]  }
0x5e: {  	[tilespmem:$0x120] =	vst v0;
	v0 =	vsel vm0, $0xF4240, v3;
	vm0 =	veq.s32 v4, $0xFFFFFFFF;
	v3 =	vld [tilespmem:$0x1A0]  }
0x5f: {  	vm1 =	veq.s32 v5, $0xFFFFFFFF;
	[tilespmem:$0x170] =	vst v0;
	v0 =	vsel vm0, $0xF4240, v4;
	v4 =	vld [tilespmem:$0x1D0]  }
0x60: {  	v8 =	vld [tilespmem:$0xA0];
	v5 =	vsel vm1, $0xF4240, v5;
	[tilespmem:$0x180] =	vst v0;
	vm0 =	veq.s32 v6, $0xFFFFFFFF  }
0x61: {  	[tilespmem:$0xF0] =	vst v2;
	vm1 =	veq.s32 v7, $0xFFFFFFFF;
	v0 =	vld [tilespmem:$0x1B0];
	v2 =	vsel vm0, $0xF4240, v6  }
0x62: {  	v6 =	vld [tilespmem:$0x40];
	v7 =	vsel vm1, $0xF4240, v7;
	vm0 =	veq.s32 v1, $0xFFFFFFFF;
	[tilespmem:$0x1F0] =	vst v2  }
0x63: {  	v2 =	vld [tilespmem:$0x20];
	vm1 =	veq.s32 v3, $0xFFFFFFFF;
	v1 =	vsel vm0, $0xF4240, v1  }
0x64: {  	v9 =	vld [tilespmem:$0x80];
	v3 =	vsel vm1, $0xF4240, v3;
	[tilespmem:$0x1C0] =	vst v1;
	vm0 =	veq.s32 v4, $0xFFFFFFFF  }
0x65: {  	v1 =	vld [tilespmem:$0x70];
	vm1 =	veq.s32 v8, $0xFFFFFFFF;
	[tilespmem:$0x1A0] =	vst v3;
	v3 =	vsel vm0, $0xF4240, v4  }
0x66: {  	v4 =	vld [tilespmem:$0x50];
	v8 =	vsel vm1, $0xF4240, v8;
	vm0 =	veq.s32 v0, $0xFFFFFFFF;
	[tilespmem:$0x1D0] =	vst v3  }
0x67: {  	v3 =	vld [tilespmem:$0x30];
	vm1 =	veq.s32 v6, $0xFFFFFFFF;
	[tilespmem:$0x190] =	vst v7;
	v0 =	vsel vm0, $0xF4240, v0  }
0x68: {  	vm0 =	veq.s32 v2, $0xFFFFFFFF;
	v6 =	vsel vm1, $0xF4240, v6;
	[tilespmem:$0x1B0] =	vst v0;
	v0 =	vld [tilespmem:$0x1E0]  }
0x69: {  	v2 =	vsel vm0, $0xF4240, v2;
	v7 =	vld [tilespmem:$0x60];
	vm0 =	veq.s32 v9, $0xFFFFFFFF;
	[tilespmem:$0xE0] =	vst v5  }
0x6a: {  	v5 =	vld [tilespmem:$0x10];
	[tilespmem:$0x20] =	vst v2;
	vm1 =	veq.s32 v1, $0xFFFFFFFF;
	v2 =	vsel vm0, $0xF4240, v9  }
0x6b: {  	vm0 =	veq.s32 v4, $0xFFFFFFFF;
	v1 =	vsel vm1, $0xF4240, v1;
	[tilespmem:$0x80] =	vst v2;
	v2 =	vld [tilespmem:$0xC0]  }
0x6c: {  	v9 =	vld [tilespmem:$0x0];
	vm1 =	veq.s32 v3, $0xFFFFFFFF;
	[tilespmem:$0x40] =	vst v6;
	v4 =	vsel vm0, $0xF4240, v4  }
0x6d: {  	v3 =	vsel vm1, $0xF4240, v3;
	[tilespmem:$0x50] =	vst v4;
	v4 =	vld [tilespmem:$0x110];
	vm0 =	veq.s32 v0, $0xFFFFFFFF  }
0x6e: {  	vm1 =	veq.s32 v7, $0xFFFFFFFF;
	[tilespmem:$0xA0] =	vst v8;
	v6 =	vld [tilespmem:$0xB0];
	v0 =	vsel vm0, $0xF4240, v0  }
0x6f: {  	vm0 =	veq.s32 v5, $0xFFFFFFFF;
	v7 =	vsel vm1, $0xF4240, v7;
	v8 =	vld [tilespmem:$0xD0];
	[tilespmem:$0x1E0] =	vst v0  }
0x70: {  	v0 =	vsel vm0, $0xF4240, v5;
	[tilespmem:$0x60] =	vst v7;
	v5 =	vld [tilespmem:$0x90];
	vm0 =	veq.s32 v2, $0xFFFFFFFF  }
0x71: {  	vm1 =	veq.s32 v9, $0xFFFFFFFF;
	[tilespmem:$0x10] =	vst v0;
	v2 =	vsel vm0, $0xF4240, v2;
	v7 =	vld [tilespmem:$0x160]  }
0x72: {  	v0 =	vsel vm1, $0xF4240, v9;
	[tilespmem:$0xC0] =	vst v2;
	v2 =	vld [tilespmem:$0x100];
	vm0 =	veq.s32 v4, $0xFFFFFFFF  }
0x73: {  	[tilespmem:$0x30] =	vst v3;
	vm1 =	veq.s32 v6, $0xFFFFFFFF;
	v3 =	vsel vm0, $0xF4240, v4  }
0x74: {  	v4 =	vsel vm1, $0xF4240, v6;
	vm0 =	veq.s32 v8, $0xFFFFFFFF;
	[tilespmem:$0x110] =	vst v3;
	v3 =	vld [tilespmem:$0x150]  }
0x75: {  	[tilespmem:$0x70] =	vst v1;
	vm1 =	veq.s32 v5, $0xFFFFFFFF;
	v1 =	vsel vm0, $0xF4240, v8;
	v6 =	vld [tilespmem:$0x140]  }
0x76: {  	v5 =	vsel vm1, $0xF4240, v5;
	[tilespmem:$0xD0] =	vst v1;
	vm0 =	veq.s32 v7, $0xFFFFFFFF  }
0x77: {  	[tilespmem:$0x90] =	vst v5;
	vm1 =	veq.s32 v2, $0xFFFFFFFF;
	v1 =	vsel vm0, $0xF4240, v7  }
.Ltmp2:
0x78: {  	v2 =	vsel vm1, $0xF4240, v2;
	[tilespmem:$0x160] =	vst v1;
	(pc) =	sbr.rel @p1 .LBB2_2-.Ltmp2, $4  }
0x79: {  	[tilespmem:$0xB0] =	vst v4;
	vm0 =	veq.s32 v3, $0xFFFFFFFF  }
0x7a: {  	[tilespmem:$0x100] =	vst v2;
	vm1 =	veq.s32 v6, $0xFFFFFFFF;
	v1 =	vsel vm0, $0xF4240, v3  }
0x7b: {  	v2 =	vsel vm1, $0xF4240, v6;
	[tilespmem:$0x150] =	vst v1  }
0x7c: {  	[tilespmem:$0x140] =	vst v2  }
.LBB2_3:
0x7d: {  	[tilespmem:$0x0] =	vst @p0 v0  }
0x7e: {  	[tilespmem:s5], [sflag:$0x1] =	stream.indirect.gather @p0 [hbm4b:s6+s8], $0x40, s2, s8, $0xb8;
	[tilespmem:$0x8200] =	vst v63  }
0x7f: {  	_ = 	snop  }
0x80: {  	[tilespmem:s9], [sflag:$0x1] =	stream.indirect.gather @p0 [hbm4b:s6+s8], $0x40, s8, s8, $0xb8;
	[tilespmem:$0x8200] =	vst v63  }
0x81: {  	_ = 	snop  }
0x82: {  	[tilespmem:s11], [sflag:$0x1] =	stream.indirect.gather @p0 [hbm4b:s6+s8], $0x40, s10, s8, $0xb8;
	[tilespmem:$0x8200] =	vst v63  }
0x83: {  	_ = 	snop  }
0x84: {  	[tilespmem:s13], [sflag:$0x1] =	stream.indirect.gather @p0 [hbm4b:s6+s8], $0x40, s12, s8, $0xb8;
	[tilespmem:$0x8200] =	vst v63  }
0x85: {  	_ =	swait.ge @p0 [sflag:s7], $0x2000  }
0x86: {  	[sflag:s7] =	ssyncset.done @p0 $0x0  }
0x87: {  	[sflag:s7] =	ssyncadd.s32 @p0 $0xFFFFE000  }
0x88: {  	_ =	swait.ge @p0 [sflag:s7], $0x2000  }
0x89: {  	[sflag:s7] =	ssyncset.done @p0 $0x0  }
0x8a: {  	[sflag:s7] =	ssyncadd.s32 @p0 $0xFFFFE000  }
0x8b: {  	_ =	swait.ge @p0 [sflag:s7], $0x2000  }
0x8c: {  	[sflag:s7] =	ssyncset.done @p0 $0x0  }
0x8d: {  	[sflag:s7] =	ssyncadd.s32 @p0 $0xFFFFE000  }
0x8e: {  	_ =	swait.ge @p0 [sflag:s7], $0x2000  }
0x8f: {  	[sflag:s7] =	ssyncset.done @p0 $0x0  }
0x90: {  	[sflag:s7] =	ssyncadd.s32 @p0 $0xFFFFE000  }
0x91: {  	[hbm4b:s4+s2] =	stream.linear.scatter @p0 [tilespmem:s5], [sflag:$0x2], $0x8000, $0x38;
	[tilespmem:$0x8200] =	vst v63  }
0x92: {  	_ =	swait.ge @p0 [sflag:s3], $0x8000  }
0x93: {  	[sflag:s3] =	ssyncset.done @p0 $0x0  }
0x94: {  	[sflag:s3] =	ssyncadd.s32 @p0 $0xFFFF8000  }
0x95: {  	[tilespmem:s2], [sflag:$0x2] =	stream.linear.gather [hbm4b:s14+s2], $0x200, $0x38;
	[tilespmem:$0x8200] =	vst v63  }
0x96: {  	_ =	swait.ge [sflag:s3], $0x200  }
0x97: {  	[sflag:s3] =	ssyncset.done $0x0  }
0x98: {  	[sflag:s3] =	ssyncadd.s32 $0xFFFFFE00  }
0x99: {  	v17 =	vld [tilespmem:$0x130]  }
0x9a: {  	v1 =	vld [tilespmem:$0x120]  }
0x9b: {  	v2 =	vld [tilespmem:$0x170]  }
0x9c: {  	v3 =	vld [tilespmem:$0x180]  }
0x9d: {  	v4 =	vld [tilespmem:$0xF0]  }
0x9e: {  	v5 =	vld [tilespmem:$0x1F0];
	vm0 =	veq.s32 v17, $0xFFFFFFFF  }
0x9f: {  	v6 =	vld [tilespmem:$0x1C0];
	vm1 =	veq.s32 v1, $0xFFFFFFFF;
	v0 =	vsel vm0, $0xF4240, v17  }
0xa0: {  	v20 =	vld [tilespmem:$0x1D0];
	vm10 =	veq.s32 v2, $0xFFFFFFFF;
	v1 =	vsel vm1, $0xF4240, v1;
	[tilespmem:$0x130] =	vst v0  }
0xa1: {  	v7 =	vld [tilespmem:$0x190];
	vm11 =	veq.s32 v3, $0xFFFFFFFF;
	v19 =	vsel vm10, $0xF4240, v2;
	[tilespmem:$0x120] =	vst v1  }
0xa2: {  	v24 =	vld [tilespmem:$0xE0];
	vm12 =	veq.s32 v4, $0xFFFFFFFF;
	v21 =	vsel vm11, $0xF4240, v3;
	[tilespmem:$0x170] =	vst v19  }
0xa3: {  	v26 =	vld [tilespmem:$0x20];
	vm13 =	veq.s32 v5, $0xFFFFFFFF;
	v22 =	vsel vm12, $0xF4240, v4;
	[tilespmem:$0x180] =	vst v21  }
0xa4: {  	v28 =	vld [tilespmem:$0x80];
	vm14 =	veq.s32 v6, $0xFFFFFFFF;
	v25 =	vsel vm13, $0xF4240, v5;
	[tilespmem:$0xF0] =	vst v22  }
0xa5: {  	v18 =	vld [tilespmem:$0x1A0];
	vm4 =	veq.s32 v20, $0xFFFFFFFF;
	v27 =	vsel vm14, $0xF4240, v6;
	[tilespmem:$0x1F0] =	vst v25  }
0xa6: {  	v23 =	vld [tilespmem:$0x1B0];
	vm5 =	veq.s32 v7, $0xFFFFFFFF;
	v30 =	vsel vm4, $0xF4240, v20;
	[tilespmem:$0x1C0] =	vst v27  }
0xa7: {  	v29 =	vld [tilespmem:$0x40];
	vm7 =	veq.s32 v24, $0xFFFFFFFF;
	v31 =	vsel vm5, $0xF4240, v7;
	[tilespmem:$0x1D0] =	vst v30  }
0xa8: {  	v32 =	vld [tilespmem:$0x50];
	vm8 =	veq.s32 v26, $0xFFFFFFFF;
	v34 =	vsel vm7, $0xF4240, v24;
	[tilespmem:$0x190] =	vst v31  }
0xa9: {  	v35 =	vld [tilespmem:$0x1E0];
	vm9 =	veq.s32 v28, $0xFFFFFFFF;
	v3 =	vsel vm8, $0xF4240, v26;
	[tilespmem:$0xE0] =	vst v34  }
0xaa: {  	v36 =	vld [tilespmem:$0x60];
	vm15 =	veq.s32 v18, $0xFFFFFFFF;
	v38 =	vsel vm9, $0xF4240, v28;
	[tilespmem:$0x20] =	vst v3  }
0xab: {  	v39 =	vld [tilespmem:$0xC0];
	vm6 =	veq.s32 v23, $0xFFFFFFFF;
	v0 =	vsel vm15, $0xF4240, v18;
	[tilespmem:$0x80] =	vst v38  }
0xac: {  	v40 =	vld [tilespmem:$0x30];
	vm10 =	veq.s32 v29, $0xFFFFFFFF;
	v1 =	vsel vm6, $0xF4240, v23;
	[tilespmem:$0x1A0] =	vst v0  }
0xad: {  	v43 =	vld [tilespmem:$0x70];
	vm11 =	veq.s32 v32, $0xFFFFFFFF;
	v5 =	vsel vm10, $0xF4240, v29;
	[tilespmem:$0x1B0] =	vst v1  }
0xae: {  	v46 =	vld [tilespmem:$0xD0];
	vm13 =	veq.s32 v35, $0xFFFFFFFF;
	v41 =	vsel vm11, $0xF4240, v32;
	[tilespmem:$0x40] =	vst v5  }
0xaf: {  	v33 =	vld [tilespmem:$0xA0];
	vm14 =	veq.s32 v36, $0xFFFFFFFF;
	v44 =	vsel vm13, $0xF4240, v35;
	[tilespmem:$0x50] =	vst v41  }
0xb0: {  	v37 =	vld [tilespmem:$0x10];
	vm4 =	veq.s32 v39, $0xFFFFFFFF;
	v45 =	vsel vm14, $0xF4240, v36;
	[tilespmem:$0x1E0] =	vst v44  }
0xb1: {  	v42 =	vld [tilespmem:$0x110];
	vm5 =	veq.s32 v40, $0xFFFFFFFF;
	v49 =	vsel vm4, $0xF4240, v39;
	[tilespmem:$0x60] =	vst v45  }
0xb2: {  	v48 =	vld [tilespmem:$0x90];
	vm7 =	veq.s32 v43, $0xFFFFFFFF;
	v51 =	vsel vm5, $0xF4240, v40;
	[tilespmem:$0xC0] =	vst v49  }
0xb3: {  	v50 =	vld [tilespmem:$0x160];
	vm8 =	veq.s32 v46, $0xFFFFFFFF;
	v55 =	vsel vm7, $0xF4240, v43;
	[tilespmem:$0x30] =	vst v51  }
0xb4: {  	v52 =	vld [tilespmem:$0xB0];
	vm12 =	veq.s32 v33, $0xFFFFFFFF;
	v4 =	vsel vm8, $0xF4240, v46;
	[tilespmem:$0x70] =	vst v55  }
0xb5: {  	v56 =	vld [tilespmem:$0x150];
	vm15 =	veq.s32 v37, $0xFFFFFFFF;
	v0 =	vsel vm12, $0xF4240, v33;
	[tilespmem:$0xD0] =	vst v4  }
0xb6: {  	v57 =	vld [tilespmem:$0x140];
	vm6 =	veq.s32 v42, $0xFFFFFFFF;
	v47 =	vsel vm15, $0xF4240, v37;
	[tilespmem:$0xA0] =	vst v0  }
0xb7: {  	v53 =	vld [tilespmem:$0x100];
	vm9 =	veq.s32 v48, $0xFFFFFFFF;
	v54 =	vsel vm6, $0xF4240, v42;
	[tilespmem:$0x10] =	vst v47  }
0xb8: {  	v58 =	vld [tilespmem:$0x0];
	vm10 =	veq.s32 v50, $0xFFFFFFFF;
	v1 =	vsel vm9, $0xF4240, v48;
	[tilespmem:$0x110] =	vst v54  }
0xb9: {  	vm11 =	veq.s32 v52, $0xFFFFFFFF;
	v59 =	vsel vm10, $0xF4240, v50;
	[tilespmem:$0x90] =	vst v1  }
0xba: {  	vm13 =	veq.s32 v56, $0xFFFFFFFF;
	v60 =	vsel vm11, $0xF4240, v52;
	[tilespmem:$0x160] =	vst v59  }
0xbb: {  	vm14 =	veq.s32 v57, $0xFFFFFFFF;
	v61 =	vsel vm13, $0xF4240, v56;
	[tilespmem:$0xB0] =	vst v60  }
0xbc: {  	vm12 =	veq.s32 v53, $0xFFFFFFFF;
	v62 =	vsel vm14, $0xF4240, v57;
	[tilespmem:$0x150] =	vst v61  }
0xbd: {  	vm15 =	veq.s32 v58, $0xFFFFFFFF;
	v0 =	vsel vm12, $0xF4240, v53;
	[tilespmem:$0x140] =	vst v62  }
0xbe: {  	v63 =	vsel vm15, $0xF4240, v58;
	[tilespmem:$0x100] =	vst v0  }
0xbf: {  	[tilespmem:$0x0] =	vst v63  }
0xc0: {  	[tilespmem:s5], [sflag:$0x1] =	stream.indirect.gather [hbm4b:s6+s8], $0x40, s2, s8, $0xb8;
	[tilespmem:$0x8200] =	vst v63  }
0xc1: {  	_ = 	snop  }
0xc2: {  	[tilespmem:s9], [sflag:$0x1] =	stream.indirect.gather [hbm4b:s6+s8], $0x40, s8, s8, $0xb8;
	[tilespmem:$0x8200] =	vst v63  }
0xc3: {  	_ = 	snop  }
0xc4: {  	[tilespmem:s11], [sflag:$0x1] =	stream.indirect.gather [hbm4b:s6+s8], $0x40, s10, s8, $0xb8;
	[tilespmem:$0x8200] =	vst v63  }
0xc5: {  	_ = 	snop  }
0xc6: {  	[tilespmem:s13], [sflag:$0x1] =	stream.indirect.gather [hbm4b:s6+s8], $0x40, s12, s8, $0xb8;
	[tilespmem:$0x8200] =	vst v63  }
0xc7: {  	_ =	swait.ge [sflag:s7], $0x2000  }
0xc8: {  	[sflag:s7] =	ssyncset.done $0x0  }
0xc9: {  	[sflag:s7] =	ssyncadd.s32 $0xFFFFE000  }
0xca: {  	_ =	swait.ge [sflag:s7], $0x2000  }
0xcb: {  	[sflag:s7] =	ssyncset.done $0x0  }
0xcc: {  	[sflag:s7] =	ssyncadd.s32 $0xFFFFE000  }
0xcd: {  	_ =	swait.ge [sflag:s7], $0x2000  }
0xce: {  	[sflag:s7] =	ssyncset.done $0x0  }
0xcf: {  	[sflag:s7] =	ssyncadd.s32 $0xFFFFE000  }
0xd0: {  	_ =	swait.ge [sflag:s7], $0x2000  }
0xd1: {  	[sflag:s7] =	ssyncset.done $0x0  }
0xd2: {  	[sflag:s7] =	ssyncadd.s32 $0xFFFFE000  }
0xd3: {  	[hbm4b:s4+s2] =	stream.linear.scatter [tilespmem:s5], [sflag:$0x2], $0x8000, $0x38;
	[tilespmem:$0x8200] =	vst v63  }
0xd4: {  	_ =	swait.ge [sflag:s3], $0x8000  }
0xd5: {  	[sflag:s3] =	ssyncset.done $0x0  }
0xd6: {  	[sflag:s3] =	ssyncadd.s32 $0xFFFF8000  }
0xd7: {  	_ =	sfence.sel $0x180000  }
0xd8: {  	[bflag:$0x0] =	sbarrier.arrive $0xFFFF  }
0xd9: {  	p0 =	sne.s32 s1, $0x0;
	_ =	strace $0x90000047  }
0xda: {  	s0 =	sadd.s32 @!p0 $0x100000, s0;
	[bflag:$0x2] =	sbarrier.arrive $0xFFFF  }
0xdb: {  	[sflag:s0] =	ssyncadd.tile.s32 @!p0 $0x1;
	_ =	shalt  }
.Lfunc_end2:
_tile_overlayer_lowered:
.L_overlay_start_2:
0xdc: {  	(tag) =	ssettag $0x2  }
0xdd: {  	s0 =	rddreg [dreg:$0x0];
	s2 =	stileid.u32  }
0xde: {  	s1 =	rddreg [dreg:$0x1];
	p0 =	sne.s32 s2, $0x0  }
0xdf: {  	s3 =	rddreg [dreg:$0x2];
	[bflag:$0x3] =	sbarrier.arrive $0xFFFF;
	s2 =	simm.s32 @!p0 $0x1C02  }
0xe0: {  	[timem:s3], [sflag:s2] =	dma.local @!p0 [hbm:s0], s1  }
0xe1: {  	s0 =	simm.s32 @!p0 $0x2  }
0xe2: {  	_ =	swait.ge @!p0 [sflag:s0], s1  }
0xe3: {  	s1 =	ssub.s32 @!p0 $0x0, s1;
	[sflag:s0] =	ssyncset.done @!p0 $0x0  }
0xe4: {  	[sflag:s0] =	ssyncadd.s32 @!p0 s1  }
0xe5: {  	[bflag:$0x3] =	sbarrier.arrive $0xFFFF  }
0xe6: {  	_ =	shalt  }

</sc_bundles>
